<compile_context>
chip_gen: v7x
topology: tpu7x:2x2x1
jax: 0.10.2.dev20260603
libtpu: 0.0.44.dev20260713+nightly
codegen_flags: <defaults>
</compile_context>

<pallas_src>
import functools

import jax
import jax.numpy as jnp
from jax import lax
from jax.experimental import pallas as pl
from jax.experimental.pallas import tpu as pltpu
from jax.experimental.pallas import tpu_sc as plsc

B, N, M, K = 4, 8192, 1024, 16
C_IN = 32
C0 = C_IN + 5
C1, C2 = 64, 128
D = 48
MT = 128
MQ = 128
PT = MQ * K
NQ = M // MQ
CNT1 = float(B * M * K)
CNT2 = float(B * M)
_NW = 32


def _make_gather(nrows):
    bpw = nrows // _NW
    mesh = plsc.VectorSubcoreMesh(core_axis_name="c", subcore_axis_name="s")

    @functools.partial(
        pl.kernel, mesh=mesh,
        out_type=jax.ShapeDtypeStruct((nrows, D), jnp.float32),
        compiler_params=pltpu.CompilerParams(use_tc_tiling_on_sc=False),
        scratch_types=[
            pltpu.VMEM((bpw,), jnp.int32),
            pltpu.VMEM((bpw, D), jnp.float32),
            pltpu.SemaphoreType.DMA,
        ],
    )
    def gk(table_hbm, idx_hbm, out_hbm, idx_v, rows_v, sem):
        wid = lax.axis_index("s") * 2 + lax.axis_index("c")
        base = wid * bpw
        pltpu.sync_copy(idx_hbm.at[pl.ds(base, bpw)], idx_v)
        pltpu.async_copy(table_hbm.at[idx_v], rows_v, sem).wait()
        pltpu.sync_copy(rows_v, out_hbm.at[pl.ds(base, bpw)])

    return gk


def _gather_rows(table, idx, nrows):
    return _make_gather(nrows)(table, idx)


def _knn_body(xyz_ref, q_ref, idx_ref):
    P = xyz_ref[0]
    qrows = q_ref[0]
    q = qrows[:, 0:3]
    q2 = jnp.sum(q * q, axis=1, keepdims=True)
    p2 = jnp.sum(P * P, axis=0, keepdims=True)
    qp = jnp.dot(q, P, preferred_element_type=jnp.float32)
    d2 = q2 + p2 - 2.0 * qp
    iota = lax.broadcasted_iota(jnp.int32, (MT, N), 1)
    kiota = lax.broadcasted_iota(jnp.int32, (MT, K), 1)
    big_f = jnp.float32(3.0e38)
    big_i = jnp.int32(2**30)

    def step(k, carry):
        d2, prev, cols = carry
        d2 = jnp.where(iota == prev, big_f, d2)
        v = jnp.min(d2, axis=1, keepdims=True)
        cand = jnp.where(d2 == v, iota, big_i)
        icol = jnp.min(cand, axis=1, keepdims=True)
        cols = jnp.where(kiota == k, icol, cols)
        return d2, icol, cols

    _, _, cols = lax.fori_loop(
        0, K, step,
        (d2, jnp.full((MT, 1), -1, jnp.int32),
         jnp.zeros((MT, K), jnp.int32)))
    idx_ref[0] = cols


def _knn(xyz_cm, sampled):
    return pl.pallas_call(
        _knn_body,
        grid=(B, M // MT),
        in_specs=[
            pl.BlockSpec((1, 3, N), lambda b, q: (b, 0, 0)),
            pl.BlockSpec((1, MT, D), lambda b, q: (b, q, 0)),
        ],
        out_specs=pl.BlockSpec((1, MT, K), lambda b, q: (b, q, 0)),
        out_shape=jax.ShapeDtypeStruct((B, M, K), jnp.int32),
    )(xyz_cm, sampled)


def _pass_c_body(r_ref, s_ref, g_ref, st_ref, acc, sums):
    lin = pl.program_id(0) * NQ + pl.program_id(1)

    @pl.when(lin == 0)
    def _():
        acc[...] = jnp.zeros_like(acc)
        sums[...] = jnp.zeros_like(sums)

    r3 = r_ref[0].reshape(MQ, K, D)
    srows = s_ref[0]
    rela = r3[:, :, 0:3] - srows[:, None, 0:3]
    ds = jnp.sqrt(jnp.sum(rela * rela, axis=-1, keepdims=True) + 1e-12)
    dens = 1.0 / (jnp.mean(ds, axis=1, keepdims=True) + 1e-6)
    densb = jnp.broadcast_to(dens, (MQ, K, 1))
    g3 = jnp.concatenate([rela, ds, densb, r3[:, :, 3:3 + C_IN]], axis=-1)
    g2d = g3.reshape(PT, C0)
    gp = jnp.concatenate([g2d, jnp.zeros((PT, D - C0), jnp.float32)], axis=1)
    acc[...] += lax.dot_general(gp, gp, (((0,), (0,)), ((), ())),
                                preferred_element_type=jnp.float32)
    sums[...] += jnp.sum(gp, axis=0, keepdims=True)
    gt = jnp.transpose(gp)
    g_ref[0] = gt[0:C0, :]

    @pl.when(lin == B * NQ - 1)
    def _():
        st_ref[...] = jnp.concatenate([acc[...], sums[...]], axis=0)


def _pass_c(rows1, sampled):
    return pl.pallas_call(
        _pass_c_body,
        grid=(B, NQ),
        in_specs=[
            pl.BlockSpec((1, MQ, K * D), lambda b, q: (b, q, 0)),
            pl.BlockSpec((1, MQ, D), lambda b, q: (b, q, 0)),
        ],
        out_specs=[
            pl.BlockSpec((1, C0, PT), lambda b, q: (b, 0, q)),
            pl.BlockSpec((D + 1, D), lambda b, q: (0, 0)),
        ],
        out_shape=[
            jax.ShapeDtypeStruct((B, C0, M * K), jnp.float32),
            jax.ShapeDtypeStruct((D + 1, D), jnp.float32),
        ],
        scratch_shapes=[
            pltpu.VMEM((D, D), jnp.float32),
            pltpu.VMEM((1, D), jnp.float32),
        ],
    )(rows1, sampled)


def _bn1_coeffs(st1, w1p, g1c, be1c):
    mean_g = st1[D:D + 1, :] / CNT1
    m2 = st1[0:D, :] / CNT1
    cov = m2 - lax.dot_general(mean_g, mean_g, (((0,), (0,)), ((), ())),
                               preferred_element_type=jnp.float32)
    t = jnp.dot(w1p, cov, preferred_element_type=jnp.float32)
    var = jnp.sum(t * w1p, axis=1, keepdims=True)
    mean = lax.dot_general(w1p, mean_g, (((1,), (1,)), ((), ())),
                           preferred_element_type=jnp.float32)
    scale = g1c * lax.rsqrt(var + 1e-5)
    shift = be1c - mean * scale
    return scale, shift


def _bn_next_coeffs(stats, w, gc, bc, cnt, c_in):
    mean_a = stats[c_in:c_in + 1, :] / cnt
    m2 = stats[0:c_in, :] / cnt
    cov = m2 - lax.dot_general(mean_a, mean_a, (((0,), (0,)), ((), ())),
                               preferred_element_type=jnp.float32)
    t = jnp.dot(w, cov, preferred_element_type=jnp.float32)
    var = jnp.sum(t * w, axis=1, keepdims=True)
    mean = lax.dot_general(w, mean_a, (((1,), (1,)), ((), ())),
                           preferred_element_type=jnp.float32)
    scale = gc * lax.rsqrt(var + 1e-5)
    shift = bc - mean * scale
    return scale, shift


def _pass_d_body(g_ref, st1_ref, w1p_ref, g1_ref, be1_ref, st2_ref, acc, sums):
    lin = pl.program_id(0) * NQ + pl.program_id(1)

    @pl.when(lin == 0)
    def _():
        acc[...] = jnp.zeros_like(acc)
        sums[...] = jnp.zeros_like(sums)

    w1p = w1p_ref[...]
    scale1, shift1 = _bn1_coeffs(st1_ref[...], w1p, g1_ref[...], be1_ref[...])
    g = g_ref[0]
    h = jnp.dot(w1p[:, 0:C0], g, preferred_element_type=jnp.float32)
    a1 = jnp.maximum(h * scale1 + shift1, 0.0)
    acc[...] += lax.dot_general(a1, a1, (((1,), (1,)), ((), ())),
                                preferred_element_type=jnp.float32)
    sums[...] += jnp.sum(a1, axis=1, keepdims=True)

    @pl.when(lin == B * NQ - 1)
    def _():
        st2_ref[...] = jnp.concatenate(
            [acc[...], jnp.transpose(sums[...])], axis=0)


def _pass_d(grouped3, st1, w1p, g1c, be1c):
    return pl.pallas_call(
        _pass_d_body,
        grid=(B, NQ),
        in_specs=[
            pl.BlockSpec((1, C0, PT), lambda b, q: (b, 0, q)),
            pl.BlockSpec((D + 1, D), lambda b, q: (0, 0)),
            pl.BlockSpec((C1, D), lambda b, q: (0, 0)),
            pl.BlockSpec((C1, 1), lambda b, q: (0, 0)),
            pl.BlockSpec((C1, 1), lambda b, q: (0, 0)),
        ],
        out_specs=pl.BlockSpec((C1 + 1, C1), lambda b, q: (0, 0)),
        out_shape=jax.ShapeDtypeStruct((C1 + 1, C1), jnp.float32),
        scratch_shapes=[
            pltpu.VMEM((C1, C1), jnp.float32),
            pltpu.VMEM((C1, 1), jnp.float32),
        ],
    )(grouped3, st1, w1p, g1c, be1c)


def _pass_e_body(g_ref, s_ref, sel_ref, st1_ref, st2_ref, w1p_ref, g1_ref,
                 be1_ref, w2_ref, g2_ref, be2_ref,
                 kp_ref, afm_ref, af_ref, ald_ref, st3_ref, acc, sums):
    lin = pl.program_id(0) * NQ + pl.program_id(1)

    @pl.when(lin == 0)
    def _():
        acc[...] = jnp.zeros_like(acc)
        sums[...] = jnp.zeros_like(sums)

    w1p = w1p_ref[...]
    w2 = w2_ref[...]
    scale1, shift1 = _bn1_coeffs(st1_ref[...], w1p, g1_ref[...], be1_ref[...])
    scale2, shift2 = _bn_next_coeffs(st2_ref[...], w2, g2_ref[...],
                                     be2_ref[...], CNT1, C1)
    g = g_ref[0]
    h = jnp.dot(w1p[:, 0:C0], g, preferred_element_type=jnp.float32)
    a1 = jnp.maximum(h * scale1 + shift1, 0.0)
    h2 = jnp.dot(w2, a1, preferred_element_type=jnp.float32)
    emb = jnp.maximum(h2 * scale2 + shift2, 0.0)
    sel = sel_ref[...]
    x1 = jnp.max(emb, axis=0, keepdims=True)
    e = jnp.exp(x1)
    ssum = jnp.dot(e, sel, preferred_element_type=jnp.float32)
    sb = lax.dot_general(ssum, sel, (((1,), (1,)), ((), ())),
                         preferred_element_type=jnp.float32)
    aw_row = e / sb
    afm = emb * aw_row
    afm_ref[0] = afm
    af2 = jnp.dot(afm, sel, preferred_element_type=jnp.float32)
    af_ref[0] = af2
    acc[...] += lax.dot_general(af2, af2, (((1,), (1,)), ((), ())),
                                preferred_element_type=jnp.float32)
    sums[...] += jnp.sum(af2, axis=1, keepdims=True)

    srows = s_ref[0]
    kxyzd = jnp.dot(g[0:8, :] * aw_row, sel,
                    preferred_element_type=jnp.float32)
    kt = jnp.transpose(kxyzd)
    kp_ref[0] = kt[:, 0:3] + srows[:, 0:3]
    ald_ref[0] = kt[:, 4:5]

    @pl.when(lin == B * NQ - 1)
    def _():
        st3_ref[...] = jnp.concatenate(
            [acc[...], jnp.transpose(sums[...])], axis=0)


def _pass_e(grouped3, sampled, sel, st1, st2, w1p, g1c, be1c, w2, g2c, be2c):
    return pl.pallas_call(
        _pass_e_body,
        grid=(B, NQ),
        in_specs=[
            pl.BlockSpec((1, C0, PT), lambda b, q: (b, 0, q)),
            pl.BlockSpec((1, MQ, D), lambda b, q: (b, q, 0)),
            pl.BlockSpec((PT, MQ), lambda b, q: (0, 0)),
            pl.BlockSpec((D + 1, D), lambda b, q: (0, 0)),
            pl.BlockSpec((C1 + 1, C1), lambda b, q: (0, 0)),
            pl.BlockSpec((C1, D), lambda b, q: (0, 0)),
            pl.BlockSpec((C1, 1), lambda b, q: (0, 0)),
            pl.BlockSpec((C1, 1), lambda b, q: (0, 0)),
            pl.BlockSpec((C2, C1), lambda b, q: (0, 0)),
            pl.BlockSpec((C2, 1), lambda b, q: (0, 0)),
            pl.BlockSpec((C2, 1), lambda b, q: (0, 0)),
        ],
        out_specs=[
            pl.BlockSpec((1, MQ, 3), lambda b, q: (b, q, 0)),
            pl.BlockSpec((1, C2, PT), lambda b, q: (b, 0, q)),
            pl.BlockSpec((1, C2, MQ), lambda b, q: (b, 0, q)),
            pl.BlockSpec((1, MQ, 1), lambda b, q: (b, q, 0)),
            pl.BlockSpec((C2 + 1, C2), lambda b, q: (0, 0)),
        ],
        out_shape=[
            jax.ShapeDtypeStruct((B, M, 3), jnp.float32),
            jax.ShapeDtypeStruct((B, C2, M * K), jnp.float32),
            jax.ShapeDtypeStruct((B, C2, M), jnp.float32),
            jax.ShapeDtypeStruct((B, M, 1), jnp.float32),
            jax.ShapeDtypeStruct((C2 + 1, C2), jnp.float32),
        ],
        scratch_shapes=[
            pltpu.VMEM((C2, C2), jnp.float32),
            pltpu.VMEM((C2, 1), jnp.float32),
        ],
    )(grouped3, sampled, sel, st1, st2, w1p, g1c, be1c, w2, g2c, be2c)


def _pass_f_body(af_ref, st3_ref, mw1_ref, mb1_ref, mg1_ref, mbe1_ref,
                 mw2_ref, mb2_ref, mg2_ref, mbe2_ref, mw3_ref, mb3_ref,
                 sig_ref, acc, sums):
    p = pl.program_id(0)
    b = pl.program_id(1)

    @pl.when((p == 0) & (b == 0))
    def _():
        acc[...] = jnp.zeros_like(acc)
        sums[...] = jnp.zeros_like(sums)

    mw1 = mw1_ref[...]
    scale3, shift3 = _bn_next_coeffs(st3_ref[...], mw1, mg1_ref[...],
                                     mbe1_ref[...], CNT2, C2)
    af = af_ref[0]
    x = jnp.dot(mw1, af, preferred_element_type=jnp.float32) + mb1_ref[...]
    mean_corr = mb1_ref[...] * scale3
    s1 = jnp.maximum(x * scale3 + shift3 - mean_corr, 0.0)

    @pl.when(p == 0)
    def _():
        acc[...] += lax.dot_general(s1, s1, (((1,), (1,)), ((), ())),
                                    preferred_element_type=jnp.float32)
        sums[...] += jnp.sum(s1, axis=1, keepdims=True)

    @pl.when(p == 1)
    def _():
        mean_s = sums[...] / CNT2
        m2 = acc[...] / CNT2
        cov = m2 - lax.dot_general(mean_s, mean_s, (((1,), (1,)), ((), ())),
                                   preferred_element_type=jnp.float32)
        mw2 = mw2_ref[...]
        t = jnp.dot(mw2, cov, preferred_element_type=jnp.float32)
        var = jnp.sum(t * mw2, axis=1, keepdims=True)
        mean = jnp.dot(mw2, mean_s, preferred_element_type=jnp.float32) \
            + mb2_ref[...]
        scale4 = mg2_ref[...] * lax.rsqrt(var + 1e-5)
        shift4 = mbe2_ref[...] - mean * scale4
        x2 = jnp.dot(mw2, s1, preferred_element_type=jnp.float32) \
            + mb2_ref[...]
        s2 = jnp.maximum(x2 * scale4 + shift4, 0.0)
        s3 = jnp.dot(mw3_ref[...], s2, preferred_element_type=jnp.float32)
        s3 = s3[0:1, :] + mb3_ref[...]
        sp = jnp.where(s3 > 20.0,
                       s3,
                       jnp.log(1.0 + jnp.exp(jnp.minimum(s3, 20.0))))
        sig_ref[0] = sp + 0.001


def _pass_f(af, st3, mw1, mb1c, mg1c, mbe1c, mw2, mb2c, mg2c, mbe2c,
            mw3p, mb3c):
    return pl.pallas_call(
        _pass_f_body,
        grid=(2, B),
        in_specs=[
            pl.BlockSpec((1, C2, M), lambda p, b: (b, 0, 0)),
            pl.BlockSpec((C2 + 1, C2), lambda p, b: (0, 0)),
            pl.BlockSpec((C2, C2), lambda p, b: (0, 0)),
            pl.BlockSpec((C2, 1), lambda p, b: (0, 0)),
            pl.BlockSpec((C2, 1), lambda p, b: (0, 0)),
            pl.BlockSpec((C2, 1), lambda p, b: (0, 0)),
            pl.BlockSpec((C2, C2), lambda p, b: (0, 0)),
            pl.BlockSpec((C2, 1), lambda p, b: (0, 0)),
            pl.BlockSpec((C2, 1), lambda p, b: (0, 0)),
            pl.BlockSpec((C2, 1), lambda p, b: (0, 0)),
            pl.BlockSpec((8, C2), lambda p, b: (0, 0)),
            pl.BlockSpec((1, 1), lambda p, b: (0, 0)),
        ],
        out_specs=pl.BlockSpec((1, 1, M), lambda p, b: (b, 0, 0)),
        out_shape=jax.ShapeDtypeStruct((B, 1, M), jnp.float32),
        scratch_shapes=[
            pltpu.VMEM((C2, C2), jnp.float32),
            pltpu.VMEM((C2, 1), jnp.float32),
        ],
    )(af, st3, mw1, mb1c, mg1c, mbe1c, mw2, mb2c, mg2c, mbe2c, mw3p, mb3c)


def kernel(xyz, features, rand_idx, w1, g1, be1, w2, g2, be2,
           mw1, mb1, mg1, mbe1, mw2, mb2, mg2, mbe2, mw3, mb3):
    f32 = jnp.float32
    feats_t = jnp.transpose(features, (0, 2, 1))
    table = jnp.concatenate(
        [xyz, feats_t, jnp.zeros((B, N, D - 3 - C_IN), f32)],
        axis=-1).reshape(B * N, D)
    offs = (jnp.arange(B, dtype=jnp.int32) * N)[:, None]
    idx0 = (rand_idx.astype(jnp.int32)[None, :] + offs).reshape(-1)
    sampled = _gather_rows(table, idx0, B * M).reshape(B, M, D)

    xyz_cm = jnp.transpose(xyz, (0, 2, 1))
    idx = _knn(xyz_cm, sampled)

    idx1 = (idx.reshape(B, M * K) + offs).reshape(-1)
    rows1 = _gather_rows(table, idx1, B * M * K)
    rows1 = rows1.reshape(B, M, K * D)

    grouped3, st1 = _pass_c(rows1, sampled)

    w1p = jnp.concatenate([w1, jnp.zeros((C1, D - C0), f32)], axis=1)
    g1c = g1.reshape(C1, 1)
    be1c = be1.reshape(C1, 1)
    st2 = _pass_d(grouped3, st1, w1p, g1c, be1c)

    sel = (jnp.arange(PT, dtype=jnp.int32)[:, None] // K
           == jnp.arange(MQ, dtype=jnp.int32)[None, :]).astype(f32)
    kp, afm, af, ald, st3 = _pass_e(
        grouped3, sampled, sel, st1, st2, w1p, g1c, be1c,
        w2, g2.reshape(C2, 1), be2.reshape(C2, 1))

    mw3p = jnp.concatenate([mw3, jnp.zeros((7, C2), f32)], axis=0)
    sig = _pass_f(af, st3, mw1, mb1.reshape(C2, 1), mg1.reshape(C2, 1),
                  mbe1.reshape(C2, 1), mw2, mb2.reshape(C2, 1),
                  mg2.reshape(C2, 1), mbe2.reshape(C2, 1),
                  mw3p, mb3.reshape(1, 1))

    grouped_features = grouped3.reshape(B, C0, M, K)
    attentive_feature_map = afm.reshape(B, C2, M, K)
    return (kp, sig[:, 0, :], af, grouped_features,
            attentive_feature_map, ald[:, :, 0])

# --- scband reference (transcript-rebuilt; emitter-appended) ---
"""Pipeline reference for scband-keypoint-detector-70136815943702 (READ-ONLY COPY).

The authoritative reference and input builder live on the scoring server;
editing this copy changes nothing except your own understanding.
"""

import jax, jax.numpy as jnp
import numpy as np

B, N, M, K = 4, 8192, 1024, 16
C_IN = 32
C0 = C_IN + 5
C1, C2 = 64, 128


def _bn(x, g, b):
    axes = tuple(i for i in range(x.ndim) if i != 1)
    mean = jnp.mean(x, axis=axes, keepdims=True)
    var = jnp.var(x, axis=axes, keepdims=True)
    shp = [1] * x.ndim
    shp[1] = -1
    return (x - mean) / jnp.sqrt(var + 1e-5) * g.reshape(shp) + b.reshape(shp)


def setup_inputs(seed: int = 0):
    key = jax.random.key(seed)
    ks = jax.random.split(key, 10)
    xyz = jax.random.normal(ks[0], (B, N, 3), dtype=jnp.float32)
    features = jax.random.normal(ks[1], (B, C_IN, N), dtype=jnp.float32)
    rand_idx = jax.random.permutation(ks[2], N)[:M]
    w1 = jax.random.normal(ks[3], (C1, C0), dtype=jnp.float32) * 0.05
    g1 = jnp.ones((C1,), jnp.float32); be1 = jnp.zeros((C1,), jnp.float32)
    w2 = jax.random.normal(ks[4], (C2, C1), dtype=jnp.float32) * 0.05
    g2 = jnp.ones((C2,), jnp.float32); be2 = jnp.zeros((C2,), jnp.float32)
    mw1 = jax.random.normal(ks[5], (C2, C2), dtype=jnp.float32) * 0.05
    mb1 = jnp.zeros((C2,), jnp.float32)
    mg1 = jnp.ones((C2,), jnp.float32); mbe1 = jnp.zeros((C2,), jnp.float32)
    mw2 = jax.random.normal(ks[6], (C2, C2), dtype=jnp.float32) * 0.05
    mb2 = jnp.zeros((C2,), jnp.float32)
    mg2 = jnp.ones((C2,), jnp.float32); mbe2 = jnp.zeros((C2,), jnp.float32)
    mw3 = jax.random.normal(ks[7], (1, C2), dtype=jnp.float32) * 0.05
    mb3 = jnp.zeros((1,), jnp.float32)
    return {"xyz": xyz, "features": features, "rand_idx": rand_idx,
            "w1": w1, "g1": g1, "be1": be1, "w2": w2, "g2": g2, "be2": be2,
            "mw1": mw1, "mb1": mb1, "mg1": mg1, "mbe1": mbe1,
            "mw2": mw2, "mb2": mb2, "mg2": mg2, "mbe2": mbe2,
            "mw3": mw3, "mb3": mb3}


def reference(xyz, features, rand_idx, w1, g1, be1, w2, g2, be2,
              mw1, mb1, mg1, mbe1, mw2, mb2, mg2, mbe2, mw3, mb3):
    # fps=False branch: random subsample of points
    sampled_xyz = xyz[:, rand_idx, :]                      # [B, M, 3]
    # knn_points: brute-force K nearest neighbors of sampled_xyz within xyz
    q2 = jnp.sum(sampled_xyz ** 2, axis=-1)                # [B, M]
    p2 = jnp.sum(xyz ** 2, axis=-1)                        # [B, N]
    d2 = q2[:, :, None] + p2[:, None, :] - 2.0 * jnp.einsum('bmd,bnd->bmn', sampled_xyz, xyz)
    _, idx = jax.lax.top_k(-d2, K)                         # [B, M, K]
    knn_xyz = jax.vmap(lambda pts, ii: pts[ii])(xyz, idx)  # [B, M, K, 3]
    rela_xyz = knn_xyz - sampled_xyz[:, :, None, :]
    rela_dist = jnp.sqrt(jnp.sum(rela_xyz ** 2, axis=-1, keepdims=True) + 1e-12)
    local_density = 1.0 / (jnp.mean(rela_dist, axis=2, keepdims=True) + 1e-6)
    local_density = jnp.broadcast_to(local_density, (B, M, K, 1))
    grouped = jnp.concatenate([rela_xyz, rela_dist, local_density], axis=-1)
    feats_t = jnp.transpose(features, (0, 2, 1))           # [B, N, C_IN]
    knn_feat = jax.vmap(lambda f, ii: f[ii])(feats_t, idx) # [B, M, K, C_IN]
    grouped = jnp.concatenate([grouped, knn_feat], axis=-1)
    grouped_features = jnp.transpose(grouped, (0, 3, 1, 2))  # [B, C0, M, K]
    # convs: Conv2d(k=1,bias=False) + BN(train) + ReLU, twice
    h = jnp.einsum('oc,bcmk->bomk', w1, grouped_features)
    h = jax.nn.relu(_bn(h, g1, be1))
    h = jnp.einsum('oc,bcmk->bomk', w2, h)
    embedding = jax.nn.relu(_bn(h, g2, be2))               # [B, C2, M, K]
    x1 = jnp.max(embedding, axis=1)                        # [B, M, K]
    aw = jax.nn.softmax(x1, axis=-1)
    keypoints = jnp.sum(aw[..., None] * knn_xyz, axis=2)   # [B, M, 3]
    wld = local_density * aw[..., None]
    adjusted_local_density = jnp.sum(wld, axis=2)[..., 0]  # [B, M]
    attentive_feature_map = embedding * aw[:, None, :, :]
    attentive_feature = jnp.sum(attentive_feature_map, axis=-1)  # [B, C2, M]
    s = jnp.einsum('oc,bcm->bom', mw1, attentive_feature) + mb1[None, :, None]
    s = jax.nn.relu(_bn(s, mg1, mbe1))
    s = jnp.einsum('oc,bcm->bom', mw2, s) + mb2[None, :, None]
    s = jax.nn.relu(_bn(s, mg2, mbe2))
    s = jnp.einsum('oc,bcm->bom', mw3, s) + mb3[None, :, None]
    sigmas = jax.nn.softplus(s) + 0.001
    sigmas = sigmas[:, 0, :]                               # [B, M]
    return (keypoints, sigmas, attentive_feature, grouped_features, attentive_feature_map, adjusted_local_density)

if __name__ == "__main__":
    import jax
    _d = setup_inputs()
    print(jax.jit(kernel)(*tuple(_d.values())))

</pallas_src>

<mosaic_0001>
#map = affine_map<(d0, d1) -> (0, 0)>
#map1 = affine_map<(d0, d1) -> (0)>
module attributes {stable_mosaic.version = 14 : i64} {
  func.func @gk(%arg0: i32, %arg1: i32, %arg2: memref<32768x48xf32, #tpu.memory_space<hbm>>, %arg3: memref<65536xi32, #tpu.memory_space<hbm>>, %arg4: memref<65536x48xf32, #tpu.memory_space<hbm>>, %arg5: memref<2048xi32, #tpu.memory_space<vmem>>, %arg6: memref<2048x48xf32, #tpu.memory_space<vmem>>, %arg7: memref<!tpu.dma_semaphore, #tpu.memory_space<semaphore_mem>>) attributes {dimension_semantics = [#tpu.dimension_semantics<core_parallel>, #tpu.dimension_semantics<subcore_parallel>], iteration_bounds = array<i64: 2, 16>, scalar_prefetch = 0 : i64, scratch_operands = 3 : i64, tpu.core_type = #tpu.core_type<sc_vector_subcore>, window_params = [{transform_indices = #map}, {transform_indices = #map1}, {transform_indices = #map}]} {
    %mul3A = arith.constant 2 : i32
    %mul3A_0 = arith.muli %arg1, %mul3A : i32
    %add3A = arith.addi %mul3A_0, %arg0 : i32
    %mul3A_1 = arith.constant 2048 : i32
    %mul3A_2 = arith.muli %add3A, %mul3A_1 : i32
    "tpu.region"() ({
      %run_scoped3A = tpu.sem_alloc : memref<!tpu.dma_semaphore, #tpu.memory_space<semaphore_mem>>
      %dma_start3A_7 = tpu.memref_slice %arg3[%mul3A_2] : memref<65536xi32, #tpu.memory_space<hbm>> -> memref<2048xi32, #tpu.memory_space<hbm>>
      %dma_start3A_8 = tpu.memref_slice %arg3[%mul3A_2] : memref<65536xi32, #tpu.memory_space<hbm>> -> memref<2048xi32, #tpu.memory_space<hbm>>
      tpu.enqueue_dma source(%dma_start3A_8 : memref<2048xi32, #tpu.memory_space<hbm>>) target(%arg5 : memref<2048xi32, #tpu.memory_space<vmem>>) target_semaphore(%run_scoped3A : memref<!tpu.dma_semaphore, #tpu.memory_space<semaphore_mem>>)
      %dma_wait3A_9 = tpu.memref_slice %arg3[%mul3A_2] : memref<65536xi32, #tpu.memory_space<hbm>> -> memref<2048xi32, #tpu.memory_space<hbm>>
      %dma_wait3A_10 = tpu.memref_slice %arg3[%mul3A_2] : memref<65536xi32, #tpu.memory_space<hbm>> -> memref<2048xi32, #tpu.memory_space<hbm>>
      tpu.wait_dma2 semaphore(%run_scoped3A : memref<!tpu.dma_semaphore, #tpu.memory_space<semaphore_mem>>) src(%dma_wait3A_10 : memref<2048xi32, #tpu.memory_space<hbm>>) dst(%arg5 : memref<2048xi32, #tpu.memory_space<vmem>>)
      tpu.yield
    }) : () -> ()
    %dma_start3A = arith.constant 0 : i32
    %dma_start3A_3 = arith.constant 0 : i32
    %dma_start3A_4 = tpu.memref_slice %arg2[%dma_start3A, %dma_start3A_3] : memref<32768x48xf32, #tpu.memory_space<hbm>> -> memref<32768x48xf32, #tpu.memory_space<hbm>>
    tpu.enqueue_indirect_dma source(%dma_start3A_4 : memref<32768x48xf32, #tpu.memory_space<hbm>>) target(%arg6 : memref<2048x48xf32, #tpu.memory_space<vmem>>) offsets(%arg5 : memref<2048xi32, #tpu.memory_space<vmem>>) semaphore(%arg7 : memref<!tpu.dma_semaphore, #tpu.memory_space<semaphore_mem>>)
    %dma_wait3A = arith.constant 0 : i32
    %dma_wait3A_5 = arith.constant 0 : i32
    %dma_wait3A_6 = tpu.memref_slice %arg2[%dma_wait3A, %dma_wait3A_5] : memref<32768x48xf32, #tpu.memory_space<hbm>> -> memref<32768x48xf32, #tpu.memory_space<hbm>>
    tpu.wait_indirect_dma semaphore(%arg7 : memref<!tpu.dma_semaphore, #tpu.memory_space<semaphore_mem>>) src(%dma_wait3A_6 : memref<32768x48xf32, #tpu.memory_space<hbm>>) dst(%arg6 : memref<2048x48xf32, #tpu.memory_space<vmem>>)
    "tpu.region"() ({
      %run_scoped3A = tpu.sem_alloc : memref<!tpu.dma_semaphore, #tpu.memory_space<semaphore_mem>>
      %dma_start3A_7 = arith.constant 0 : i32
      %dma_start3A_8 = tpu.memref_slice %arg4[%mul3A_2, %dma_start3A_7] : memref<65536x48xf32, #tpu.memory_space<hbm>> -> memref<2048x48xf32, #tpu.memory_space<hbm>>
      %dma_start3A_9 = arith.constant 0 : i32
      %dma_start3A_10 = tpu.memref_slice %arg4[%mul3A_2, %dma_start3A_9] : memref<65536x48xf32, #tpu.memory_space<hbm>> -> memref<2048x48xf32, #tpu.memory_space<hbm>>
      tpu.enqueue_dma source(%arg6 : memref<2048x48xf32, #tpu.memory_space<vmem>>) target(%dma_start3A_10 : memref<2048x48xf32, #tpu.memory_space<hbm>>) target_semaphore(%run_scoped3A : memref<!tpu.dma_semaphore, #tpu.memory_space<semaphore_mem>>)
      %dma_wait3A_11 = arith.constant 0 : i32
      %dma_wait3A_12 = tpu.memref_slice %arg4[%mul3A_2, %dma_wait3A_11] : memref<65536x48xf32, #tpu.memory_space<hbm>> -> memref<2048x48xf32, #tpu.memory_space<hbm>>
      %dma_wait3A_13 = arith.constant 0 : i32
      %dma_wait3A_14 = tpu.memref_slice %arg4[%mul3A_2, %dma_wait3A_13] : memref<65536x48xf32, #tpu.memory_space<hbm>> -> memref<2048x48xf32, #tpu.memory_space<hbm>>
      tpu.wait_dma2 semaphore(%run_scoped3A : memref<!tpu.dma_semaphore, #tpu.memory_space<semaphore_mem>>) src(%arg6 : memref<2048x48xf32, #tpu.memory_space<vmem>>) dst(%dma_wait3A_14 : memref<2048x48xf32, #tpu.memory_space<hbm>>)
      tpu.yield
    }) : () -> ()
    return
  }
}

#map = affine_map<(d0, d1) -> (0, 0)>
#map1 = affine_map<(d0, d1) -> (0)>
module attributes {stable_mosaic.version = 14 : i64} {
  func.func @gk(%arg0: i32, %arg1: i32, %arg2: memref<32768x48xf32, #tpu.memory_space<hbm>>, %arg3: memref<4096xi32, #tpu.memory_space<hbm>>, %arg4: memref<4096x48xf32, #tpu.memory_space<hbm>>, %arg5: memref<128xi32, #tpu.memory_space<vmem>>, %arg6: memref<128x48xf32, #tpu.memory_space<vmem>>, %arg7: memref<!tpu.dma_semaphore, #tpu.memory_space<semaphore_mem>>) attributes {dimension_semantics = [#tpu.dimension_semantics<core_parallel>, #tpu.dimension_semantics<subcore_parallel>], iteration_bounds = array<i64: 2, 16>, scalar_prefetch = 0 : i64, scratch_operands = 3 : i64, tpu.core_type = #tpu.core_type<sc_vector_subcore>, window_params = [{transform_indices = #map}, {transform_indices = #map1}, {transform_indices = #map}]} {
    %mul3A = arith.constant 2 : i32
    %mul3A_0 = arith.muli %arg1, %mul3A : i32
    %add3A = arith.addi %mul3A_0, %arg0 : i32
    %mul3A_1 = arith.constant 128 : i32
    %mul3A_2 = arith.muli %add3A, %mul3A_1 : i32
    "tpu.region"() ({
      %run_scoped3A = tpu.sem_alloc : memref<!tpu.dma_semaphore, #tpu.memory_space<semaphore_mem>>
      %dma_start3A_7 = tpu.memref_slice %arg3[%mul3A_2] : memref<4096xi32, #tpu.memory_space<hbm>> -> memref<128xi32, #tpu.memory_space<hbm>>
      %dma_start3A_8 = tpu.memref_slice %arg3[%mul3A_2] : memref<4096xi32, #tpu.memory_space<hbm>> -> memref<128xi32, #tpu.memory_space<hbm>>
      tpu.enqueue_dma source(%dma_start3A_8 : memref<128xi32, #tpu.memory_space<hbm>>) target(%arg5 : memref<128xi32, #tpu.memory_space<vmem>>) target_semaphore(%run_scoped3A : memref<!tpu.dma_semaphore, #tpu.memory_space<semaphore_mem>>)
      %dma_wait3A_9 = tpu.memref_slice %arg3[%mul3A_2] : memref<4096xi32, #tpu.memory_space<hbm>> -> memref<128xi32, #tpu.memory_space<hbm>>
      %dma_wait3A_10 = tpu.memref_slice %arg3[%mul3A_2] : memref<4096xi32, #tpu.memory_space<hbm>> -> memref<128xi32, #tpu.memory_space<hbm>>
      tpu.wait_dma2 semaphore(%run_scoped3A : memref<!tpu.dma_semaphore, #tpu.memory_space<semaphore_mem>>) src(%dma_wait3A_10 : memref<128xi32, #tpu.memory_space<hbm>>) dst(%arg5 : memref<128xi32, #tpu.memory_space<vmem>>)
      tpu.yield
    }) : () -> ()
    %dma_start3A = arith.constant 0 : i32
    %dma_start3A_3 = arith.constant 0 : i32
    %dma_start3A_4 = tpu.memref_slice %arg2[%dma_start3A, %dma_start3A_3] : memref<32768x48xf32, #tpu.memory_space<hbm>> -> memref<32768x48xf32, #tpu.memory_space<hbm>>
    tpu.enqueue_indirect_dma source(%dma_start3A_4 : memref<32768x48xf32, #tpu.memory_space<hbm>>) target(%arg6 : memref<128x48xf32, #tpu.memory_space<vmem>>) offsets(%arg5 : memref<128xi32, #tpu.memory_space<vmem>>) semaphore(%arg7 : memref<!tpu.dma_semaphore, #tpu.memory_space<semaphore_mem>>)
    %dma_wait3A = arith.constant 0 : i32
    %dma_wait3A_5 = arith.constant 0 : i32
    %dma_wait3A_6 = tpu.memref_slice %arg2[%dma_wait3A, %dma_wait3A_5] : memref<32768x48xf32, #tpu.memory_space<hbm>> -> memref<32768x48xf32, #tpu.memory_space<hbm>>
    tpu.wait_indirect_dma semaphore(%arg7 : memref<!tpu.dma_semaphore, #tpu.memory_space<semaphore_mem>>) src(%dma_wait3A_6 : memref<32768x48xf32, #tpu.memory_space<hbm>>) dst(%arg6 : memref<128x48xf32, #tpu.memory_space<vmem>>)
    "tpu.region"() ({
      %run_scoped3A = tpu.sem_alloc : memref<!tpu.dma_semaphore, #tpu.memory_space<semaphore_mem>>
      %dma_start3A_7 = arith.constant 0 : i32
      %dma_start3A_8 = tpu.memref_slice %arg4[%mul3A_2, %dma_start3A_7] : memref<4096x48xf32, #tpu.memory_space<hbm>> -> memref<128x48xf32, #tpu.memory_space<hbm>>
      %dma_start3A_9 = arith.constant 0 : i32
      %dma_start3A_10 = tpu.memref_slice %arg4[%mul3A_2, %dma_start3A_9] : memref<4096x48xf32, #tpu.memory_space<hbm>> -> memref<128x48xf32, #tpu.memory_space<hbm>>
      tpu.enqueue_dma source(%arg6 : memref<128x48xf32, #tpu.memory_space<vmem>>) target(%dma_start3A_10 : memref<128x48xf32, #tpu.memory_space<hbm>>) target_semaphore(%run_scoped3A : memref<!tpu.dma_semaphore, #tpu.memory_space<semaphore_mem>>)
      %dma_wait3A_11 = arith.constant 0 : i32
      %dma_wait3A_12 = tpu.memref_slice %arg4[%mul3A_2, %dma_wait3A_11] : memref<4096x48xf32, #tpu.memory_space<hbm>> -> memref<128x48xf32, #tpu.memory_space<hbm>>
      %dma_wait3A_13 = arith.constant 0 : i32
      %dma_wait3A_14 = tpu.memref_slice %arg4[%mul3A_2, %dma_wait3A_13] : memref<4096x48xf32, #tpu.memory_space<hbm>> -> memref<128x48xf32, #tpu.memory_space<hbm>>
      tpu.wait_dma2 semaphore(%run_scoped3A : memref<!tpu.dma_semaphore, #tpu.memory_space<semaphore_mem>>) src(%arg6 : memref<128x48xf32, #tpu.memory_space<vmem>>) dst(%dma_wait3A_14 : memref<128x48xf32, #tpu.memory_space<hbm>>)
      tpu.yield
    }) : () -> ()
    return
  }
}

module attributes {stable_mosaic.version = 14 : i64} {
  func.func @_knn_body(%arg0: i32, %arg1: i32, %arg2: memref<1x3x8192xf32, #tpu.memory_space<vmem>>, %arg3: memref<1x128x48xf32, #tpu.memory_space<vmem>>, %arg4: memref<1x128x16xi32, #tpu.memory_space<vmem>>) attributes {dimension_semantics = [#tpu.dimension_semantics<arbitrary>, #tpu.dimension_semantics<arbitrary>], iteration_bounds = array<i64: 4, 8>, scalar_prefetch = 0 : i64, scratch_operands = 0 : i64, tpu.core_type = #tpu.core_type<tc>, window_params = [{transform_indices = @transform_0, window_bounds = array<i64: 1, 3, 8192>}, {transform_indices = @transform_1, window_bounds = array<i64: 1, 128, 48>}, {transform_indices = @transform_2, window_bounds = array<i64: 1, 128, 16>}]} {
    %get3A = arith.constant 0 : index
    %get3A_0 = arith.constant 0 : index
    %get3A_1 = arith.constant 0 : index
    %get3A_2 = vector.load %arg2[%get3A, %get3A_0, %get3A_1] : memref<1x3x8192xf32, #tpu.memory_space<vmem>>, vector<1x3x8192xf32>
    %get3A_3 = vector.shape_cast %get3A_2 : vector<1x3x8192xf32> to vector<3x8192xf32>
    %get3A_4 = arith.constant 0 : index
    %get3A_5 = arith.constant 0 : index
    %get3A_6 = arith.constant 0 : index
    %get3A_7 = vector.load %arg3[%get3A_4, %get3A_5, %get3A_6] : memref<1x128x48xf32, #tpu.memory_space<vmem>>, vector<1x128x48xf32>
    %get3A_8 = vector.shape_cast %get3A_7 : vector<1x128x48xf32> to vector<128x48xf32>
    %slice3A = vector.extract_strided_slice %get3A_8 {offsets = [0, 0], sizes = [128, 3], strides = [1, 1]} : vector<128x48xf32> to vector<128x3xf32>
    %mul3A = arith.mulf %slice3A, %slice3A : vector<128x3xf32>
    %reduce_sum3A = arith.constant dense<0.000000e+00> : vector<128xf32>
    %reduce_sum3A_9 = vector.multi_reduction <add>, %mul3A, %reduce_sum3A [1] : vector<128x3xf32> to vector<128xf32>
    %broadcast_in_dim3A = vector.shape_cast %reduce_sum3A_9 : vector<128xf32> to vector<128x1xf32>
    %mul3A_10 = arith.mulf %get3A_3, %get3A_3 : vector<3x8192xf32>
    %reduce_sum3A_11 = arith.constant dense<0.000000e+00> : vector<8192xf32>
    %reduce_sum3A_12 = vector.multi_reduction <add>, %mul3A_10, %reduce_sum3A_11 [0] : vector<3x8192xf32> to vector<8192xf32>
    %broadcast_in_dim3A_13 = vector.shape_cast %reduce_sum3A_12 : vector<8192xf32> to vector<1x8192xf32>
    %dot_general3A = arith.constant dense<0.000000e+00> : vector<128x8192xf32>
    %dot_general3A_14 = tpu.matmul %slice3A, %get3A_3, %dot_general3A {dimension_numbers = #tpu.dot_dimension_numbers<[1], [0], [0], [1], [0, 0, 1, 1], [], []>, transpose_lhs_hint = false} : vector<128x3xf32>, vector<3x8192xf32>, vector<128x8192xf32> -> vector<128x8192xf32>
    %add3A = vector.broadcast %broadcast_in_dim3A : vector<128x1xf32> to vector<128x8192xf32>
    %add3A_15 = vector.broadcast %broadcast_in_dim3A_13 : vector<1x8192xf32> to vector<128x8192xf32>
    %add3A_16 = arith.addf %add3A, %add3A_15 : vector<128x8192xf32>
    %mul3A_17 = arith.constant 2.000000e+00 : f32
    %mul3A_18 = vector.broadcast %mul3A_17 : f32 to vector<128x8192xf32>
    %mul3A_19 = arith.mulf %mul3A_18, %dot_general3A_14 : vector<128x8192xf32>
    %sub3A = arith.subf %add3A_16, %mul3A_19 : vector<128x8192xf32>
    %iota3A = tpu.iota {dimensions = array<i32: 1>} : vector<128x8192xi32>
    %iota3A_20 = tpu.iota {dimensions = array<i32: 1>} : vector<128x16xi32>
    %broadcast_in_dim3A_21 = arith.constant -1 : i32
    %broadcast_in_dim3A_22 = vector.broadcast %broadcast_in_dim3A_21 : i32 to vector<128x1xi32>
    %broadcast_in_dim3A_23 = arith.constant 0 : i32
    %broadcast_in_dim3A_24 = vector.broadcast %broadcast_in_dim3A_23 : i32 to vector<128x16xi32>
    %scan3A = arith.constant 3.000000e+38 : f32
    %scan3A_25 = arith.constant 1073741824 : i32
    %scan3A_26 = arith.constant 0 : i32
    %scan3A_27 = arith.constant 16 : i32
    %scan3A_28 = arith.addi %scan3A_26, %scan3A_27 : i32
    %scan3A_29 = arith.constant 1 : i32
    %scan3A_30:3 = scf.for %scan3A_37 = %scan3A_26 to %scan3A_28 step %scan3A_29 iter_args(%scan3A_38 = %sub3A, %scan3A_39 = %broadcast_in_dim3A_22, %scan3A_40 = %broadcast_in_dim3A_24) -> (vector<128x8192xf32>, vector<128x1xi32>, vector<128x16xi32>)  : i32 {
      %eq3A = vector.broadcast %scan3A_39 : vector<128x1xi32> to vector<128x8192xi32>
      %eq3A_41 = arith.cmpi eq, %iota3A, %eq3A : vector<128x8192xi32>
      %broadcast_in_dim3A_42 = vector.broadcast %scan3A : f32 to vector<128x8192xf32>
      %select_n3A = arith.select %eq3A_41, %broadcast_in_dim3A_42, %scan3A_38 : vector<128x8192xi1>, vector<128x8192xf32>
      %reduce_min3A = arith.constant dense<0x7F800000> : vector<128xf32>
      %reduce_min3A_43 = vector.multi_reduction <minimumf>, %select_n3A, %reduce_min3A [1] : vector<128x8192xf32> to vector<128xf32>
      %broadcast_in_dim3A_44 = vector.shape_cast %reduce_min3A_43 : vector<128xf32> to vector<128x1xf32>
      %eq3A_45 = vector.broadcast %broadcast_in_dim3A_44 : vector<128x1xf32> to vector<128x8192xf32>
      %eq3A_46 = arith.cmpf oeq, %select_n3A, %eq3A_45 : vector<128x8192xf32>
      %broadcast_in_dim3A_47 = vector.broadcast %scan3A_25 : i32 to vector<128x8192xi32>
      %select_n3A_48 = arith.select %eq3A_46, %iota3A, %broadcast_in_dim3A_47 : vector<128x8192xi1>, vector<128x8192xi32>
      %reduce_min3A_49 = arith.constant dense<2147483647> : vector<128xi32>
      %reduce_min3A_50 = vector.multi_reduction <minsi>, %select_n3A_48, %reduce_min3A_49 [1] : vector<128x8192xi32> to vector<128xi32>
      %broadcast_in_dim3A_51 = vector.shape_cast %reduce_min3A_50 : vector<128xi32> to vector<128x1xi32>
      %eq3A_52 = vector.broadcast %scan3A_37 : i32 to vector<128x16xi32>
      %eq3A_53 = arith.cmpi eq, %iota3A_20, %eq3A_52 : vector<128x16xi32>
      %broadcast_in_dim3A_54 = vector.shape_cast %broadcast_in_dim3A_51 : vector<128x1xi32> to vector<128x1xi32>
      %broadcast_in_dim3A_55 = vector.broadcast %broadcast_in_dim3A_54 : vector<128x1xi32> to vector<128x16xi32>
      %select_n3A_56 = arith.select %eq3A_53, %broadcast_in_dim3A_55, %scan3A_40 : vector<128x16xi1>, vector<128x16xi32>
      scf.yield %select_n3A, %broadcast_in_dim3A_51, %select_n3A_56 : vector<128x8192xf32>, vector<128x1xi32>, vector<128x16xi32>
    }
    %scan3A_31 = arith.constant 16 : i32
    %swap3A = arith.constant 0 : index
    %swap3A_32 = arith.constant 0 : index
    %swap3A_33 = arith.constant 0 : index
    %swap3A_34 = vector.load %arg4[%swap3A, %swap3A_32, %swap3A_33] : memref<1x128x16xi32, #tpu.memory_space<vmem>>, vector<1x128x16xi32>
    %swap3A_35 = vector.shape_cast %swap3A_34 : vector<1x128x16xi32> to vector<128x16xi32>
    %swap3A_36 = vector.shape_cast %scan3A_30#2 : vector<128x16xi32> to vector<1x128x16xi32>
    tpu.vector_store %arg4[%swap3A, %swap3A_32, %swap3A_33], %swap3A_36 {strides = array<i32>} : memref<1x128x16xi32, #tpu.memory_space<vmem>>, vector<1x128x16xi32>,
    return
  }
  func.func @transform_0(%arg0: i32, %arg1: i32) -> (i32, i32, i32) {
    %c0_i32 = arith.constant 0 : i32
    %c0_i32_0 = arith.constant 0 : i32
    %c0_i32_1 = arith.constant 0 : i32
    return %arg0, %c0_i32, %c0_i32_0 : i32, i32, i32
  }
  func.func @transform_1(%arg0: i32, %arg1: i32) -> (i32, i32, i32) {
    %c0_i32 = arith.constant 0 : i32
    %c0_i32_0 = arith.constant 0 : i32
    return %arg0, %arg1, %c0_i32 : i32, i32, i32
  }
  func.func @transform_2(%arg0: i32, %arg1: i32) -> (i32, i32, i32) {
    %c0_i32 = arith.constant 0 : i32
    %c0_i32_0 = arith.constant 0 : i32
    return %arg0, %arg1, %c0_i32 : i32, i32, i32
  }
}

module attributes {stable_mosaic.version = 14 : i64} {
  func.func @_pass_c_body(%arg0: i32, %arg1: i32, %arg2: memref<1x128x768xf32, #tpu.memory_space<vmem>>, %arg3: memref<1x128x48xf32, #tpu.memory_space<vmem>>, %arg4: memref<1x37x2048xf32, #tpu.memory_space<vmem>>, %arg5: memref<49x48xf32, #tpu.memory_space<vmem>>, %arg6: memref<48x48xf32, #tpu.memory_space<vmem>>, %arg7: memref<1x48xf32, #tpu.memory_space<vmem>>) attributes {dimension_semantics = [#tpu.dimension_semantics<arbitrary>, #tpu.dimension_semantics<arbitrary>], iteration_bounds = array<i64: 4, 8>, scalar_prefetch = 0 : i64, scratch_operands = 2 : i64, tpu.core_type = #tpu.core_type<tc>, window_params = [{transform_indices = @transform_0, window_bounds = array<i64: 1, 128, 768>}, {transform_indices = @transform_1, window_bounds = array<i64: 1, 128, 48>}, {transform_indices = @transform_2, window_bounds = array<i64: 1, 37, 2048>}, {pipeline_mode = #tpu.pipeline_mode<synchronous>, transform_indices = @transform_3, window_bounds = array<i64: 49, 48>}]} {
    %mul3A = arith.constant 8 : i32
    %mul3A_0 = arith.muli %arg0, %mul3A : i32
    %add3A = arith.addi %mul3A_0, %arg1 : i32
    %eq3A = arith.constant 0 : i32
    %eq3A_1 = arith.cmpi eq, %add3A, %eq3A : i32
    %convert_element_type3A = arith.extui %eq3A_1 : i1 to i32
    %cond3A = arith.constant 0 : i32
    %cond3A_2 = arith.cmpi ne, %convert_element_type3A, %cond3A : i32
    scf.if %cond3A_2 {
      %broadcast_in_dim3A_67 = arith.constant 0.000000e+00 : f32
      %broadcast_in_dim3A_68 = vector.broadcast %broadcast_in_dim3A_67 : f32 to vector<48x48xf32>
      %swap3A_69 = arith.constant 0 : index
      %swap3A_70 = arith.constant 0 : index
      %swap3A_71 = vector.load %arg6[%swap3A_69, %swap3A_70] : memref<48x48xf32, #tpu.memory_space<vmem>>, vector<48x48xf32>
      tpu.vector_store %arg6[%swap3A_69, %swap3A_70], %broadcast_in_dim3A_68 {strides = array<i32>} : memref<48x48xf32, #tpu.memory_space<vmem>>, vector<48x48xf32>,
      %broadcast_in_dim3A_72 = arith.constant 0.000000e+00 : f32
      %broadcast_in_dim3A_73 = vector.broadcast %broadcast_in_dim3A_72 : f32 to vector<1x48xf32>
      %swap3A_74 = arith.constant 0 : index
      %swap3A_75 = arith.constant 0 : index
      %swap3A_76 = vector.load %arg7[%swap3A_74, %swap3A_75] : memref<1x48xf32, #tpu.memory_space<vmem>>, vector<1x48xf32>
      tpu.vector_store %arg7[%swap3A_74, %swap3A_75], %broadcast_in_dim3A_73 {strides = array<i32>} : memref<1x48xf32, #tpu.memory_space<vmem>>, vector<1x48xf32>,
    } else {
    }
    %get3A = arith.constant 0 : index
    %get3A_3 = arith.constant 0 : index
    %get3A_4 = arith.constant 0 : index
    %get3A_5 = vector.load %arg2[%get3A, %get3A_3, %get3A_4] : memref<1x128x768xf32, #tpu.memory_space<vmem>>, vector<1x128x768xf32>
    %get3A_6 = vector.shape_cast %get3A_5 : vector<1x128x768xf32> to vector<128x768xf32>
    %reshape3A = vector.shape_cast %get3A_6 : vector<128x768xf32> to vector<128x16x48xf32>
    %get3A_7 = arith.constant 0 : index
    %get3A_8 = arith.constant 0 : index
    %get3A_9 = arith.constant 0 : index
    %get3A_10 = vector.load %arg3[%get3A_7, %get3A_8, %get3A_9] : memref<1x128x48xf32, #tpu.memory_space<vmem>>, vector<1x128x48xf32>
    %get3A_11 = vector.shape_cast %get3A_10 : vector<1x128x48xf32> to vector<128x48xf32>
    %slice3A = vector.extract_strided_slice %reshape3A {offsets = [0, 0, 0], sizes = [128, 16, 3], strides = [1, 1, 1]} : vector<128x16x48xf32> to vector<128x16x3xf32>
    %slice3A_12 = vector.extract_strided_slice %get3A_11 {offsets = [0, 0], sizes = [128, 3], strides = [1, 1]} : vector<128x48xf32> to vector<128x3xf32>
    %broadcast_in_dim3A = vector.shape_cast %slice3A_12 : vector<128x3xf32> to vector<128x1x3xf32>
    %sub3A = vector.broadcast %broadcast_in_dim3A : vector<128x1x3xf32> to vector<128x16x3xf32>
    %sub3A_13 = arith.subf %slice3A, %sub3A : vector<128x16x3xf32>
    %mul3A_14 = arith.mulf %sub3A_13, %sub3A_13 : vector<128x16x3xf32>
    %reduce_sum3A = arith.constant dense<0.000000e+00> : vector<128x16xf32>
    %reduce_sum3A_15 = vector.multi_reduction <add>, %mul3A_14, %reduce_sum3A [2] : vector<128x16x3xf32> to vector<128x16xf32>
    %broadcast_in_dim3A_16 = vector.shape_cast %reduce_sum3A_15 : vector<128x16xf32> to vector<128x16x1xf32>
    %add3A_17 = arith.constant 9.99999996E-13 : f32
    %add3A_18 = vector.broadcast %add3A_17 : f32 to vector<128x16x1xf32>
    %add3A_19 = arith.addf %broadcast_in_dim3A_16, %add3A_18 : vector<128x16x1xf32>
    %sqrt3A = math.sqrt %add3A_19 : vector<128x16x1xf32>
    %reduce_sum3A_20 = arith.constant dense<0.000000e+00> : vector<128x1xf32>
    %reduce_sum3A_21 = vector.multi_reduction <add>, %sqrt3A, %reduce_sum3A_20 [1] : vector<128x16x1xf32> to vector<128x1xf32>
    %broadcast_in_dim3A_22 = vector.shape_cast %reduce_sum3A_21 : vector<128x1xf32> to vector<128x1x1xf32>
    %div3A = arith.constant 1.600000e+01 : f32
    %div3A_23 = vector.broadcast %div3A : f32 to vector<128x1x1xf32>
    %div3A_24 = arith.divf %broadcast_in_dim3A_22, %div3A_23 : vector<128x1x1xf32>
    %add3A_25 = arith.constant 9.99999997E-7 : f32
    %add3A_26 = vector.broadcast %add3A_25 : f32 to vector<128x1x1xf32>
    %add3A_27 = arith.addf %div3A_24, %add3A_26 : vector<128x1x1xf32>
    %div3A_28 = arith.constant 1.000000e+00 : f32
    %div3A_29 = vector.broadcast %div3A_28 : f32 to vector<128x1x1xf32>
    %div3A_30 = arith.divf %div3A_29, %add3A_27 : vector<128x1x1xf32>
    %broadcast_in_dim3A_31 = vector.shape_cast %div3A_30 : vector<128x1x1xf32> to vector<128x1x1xf32>
    %broadcast_in_dim3A_32 = vector.broadcast %broadcast_in_dim3A_31 : vector<128x1x1xf32> to vector<128x16x1xf32>
    %slice3A_33 = vector.extract_strided_slice %reshape3A {offsets = [0, 0, 3], sizes = [128, 16, 32], strides = [1, 1, 1]} : vector<128x16x48xf32> to vector<128x16x32xf32>
    %concatenate3A = tpu.concatenate %sub3A_13, %sqrt3A, %broadcast_in_dim3A_32, %slice3A_33 in 2 : vector<128x16x3xf32>, vector<128x16x1xf32>, vector<128x16x1xf32>, vector<128x16x32xf32> -> vector<128x16x37xf32>
    %reshape3A_34 = vector.shape_cast %concatenate3A : vector<128x16x37xf32> to vector<2048x37xf32>
    %broadcast_in_dim3A_35 = arith.constant 0.000000e+00 : f32
    %broadcast_in_dim3A_36 = vector.broadcast %broadcast_in_dim3A_35 : f32 to vector<2048x11xf32>
    %concatenate3A_37 = tpu.concatenate %reshape3A_34, %broadcast_in_dim3A_36 in 1 : vector<2048x37xf32>, vector<2048x11xf32> -> vector<2048x48xf32>
    %get3A_38 = arith.constant 0 : index
    %get3A_39 = arith.constant 0 : index
    %get3A_40 = vector.load %arg6[%get3A_38, %get3A_39] : memref<48x48xf32, #tpu.memory_space<vmem>>, vector<48x48xf32>
    %dot_general3A = arith.constant dense<0.000000e+00> : vector<48x48xf32>
    %dot_general3A_41 = tpu.matmul %concatenate3A_37, %concatenate3A_37, %dot_general3A {dimension_numbers = #tpu.dot_dimension_numbers<[0], [0], [1], [1], [0, 1, 1, 1], [], []>, transpose_lhs_hint = false} : vector<2048x48xf32>, vector<2048x48xf32>, vector<48x48xf32> -> vector<48x48xf32>
    %add3A_42 = arith.addf %get3A_40, %dot_general3A_41 : vector<48x48xf32>
    %swap3A = arith.constant 0 : index
    %swap3A_43 = arith.constant 0 : index
    %swap3A_44 = vector.load %arg6[%swap3A, %swap3A_43] : memref<48x48xf32, #tpu.memory_space<vmem>>, vector<48x48xf32>
    tpu.vector_store %arg6[%swap3A, %swap3A_43], %add3A_42 {strides = array<i32>} : memref<48x48xf32, #tpu.memory_space<vmem>>, vector<48x48xf32>,
    %get3A_45 = arith.constant 0 : index
    %get3A_46 = arith.constant 0 : index
    %get3A_47 = vector.load %arg7[%get3A_45, %get3A_46] : memref<1x48xf32, #tpu.memory_space<vmem>>, vector<1x48xf32>
    %reduce_sum3A_48 = arith.constant dense<0.000000e+00> : vector<48xf32>
    %reduce_sum3A_49 = vector.multi_reduction <add>, %concatenate3A_37, %reduce_sum3A_48 [0] : vector<2048x48xf32> to vector<48xf32>
    %broadcast_in_dim3A_50 = vector.shape_cast %reduce_sum3A_49 : vector<48xf32> to vector<1x48xf32>
    %add3A_51 = arith.addf %get3A_47, %broadcast_in_dim3A_50 : vector<1x48xf32>
    %swap3A_52 = arith.constant 0 : index
    %swap3A_53 = arith.constant 0 : index
    %swap3A_54 = vector.load %arg7[%swap3A_52, %swap3A_53] : memref<1x48xf32, #tpu.memory_space<vmem>>, vector<1x48xf32>
    tpu.vector_store %arg7[%swap3A_52, %swap3A_53], %add3A_51 {strides = array<i32>} : memref<1x48xf32, #tpu.memory_space<vmem>>, vector<1x48xf32>,
    %transpose3A = tpu.transpose %concatenate3A_37, [1, 0] : vector<2048x48xf32> -> vector<48x2048xf32>
    %slice3A_55 = vector.extract_strided_slice %transpose3A {offsets = [0, 0], sizes = [37, 2048], strides = [1, 1]} : vector<48x2048xf32> to vector<37x2048xf32>
    %swap3A_56 = arith.constant 0 : index
    %swap3A_57 = arith.constant 0 : index
    %swap3A_58 = arith.constant 0 : index
    %swap3A_59 = vector.load %arg4[%swap3A_56, %swap3A_57, %swap3A_58] : memref<1x37x2048xf32, #tpu.memory_space<vmem>>, vector<1x37x2048xf32>
    %swap3A_60 = vector.shape_cast %swap3A_59 : vector<1x37x2048xf32> to vector<37x2048xf32>
    %swap3A_61 = vector.shape_cast %slice3A_55 : vector<37x2048xf32> to vector<1x37x2048xf32>
    tpu.vector_store %arg4[%swap3A_56, %swap3A_57, %swap3A_58], %swap3A_61 {strides = array<i32>} : memref<1x37x2048xf32, #tpu.memory_space<vmem>>, vector<1x37x2048xf32>,
    %eq3A_62 = arith.constant 31 : i32
    %eq3A_63 = arith.cmpi eq, %add3A, %eq3A_62 : i32
    %convert_element_type3A_64 = arith.extui %eq3A_63 : i1 to i32
    %cond3A_65 = arith.constant 0 : i32
    %cond3A_66 = arith.cmpi ne, %convert_element_type3A_64, %cond3A_65 : i32
    scf.if %cond3A_66 {
      %get3A_67 = arith.constant 0 : index
      %get3A_68 = arith.constant 0 : index
      %get3A_69 = vector.load %arg6[%get3A_67, %get3A_68] : memref<48x48xf32, #tpu.memory_space<vmem>>, vector<48x48xf32>
      %get3A_70 = arith.constant 0 : index
      %get3A_71 = arith.constant 0 : index
      %get3A_72 = vector.load %arg7[%get3A_70, %get3A_71] : memref<1x48xf32, #tpu.memory_space<vmem>>, vector<1x48xf32>
      %concatenate3A_73 = tpu.concatenate %get3A_69, %get3A_72 in 0 : vector<48x48xf32>, vector<1x48xf32> -> vector<49x48xf32>
      %swap3A_74 = arith.constant 0 : index
      %swap3A_75 = arith.constant 0 : index
      %swap3A_76 = vector.load %arg5[%swap3A_74, %swap3A_75] : memref<49x48xf32, #tpu.memory_space<vmem>>, vector<49x48xf32>
      tpu.vector_store %arg5[%swap3A_74, %swap3A_75], %concatenate3A_73 {strides = array<i32>} : memref<49x48xf32, #tpu.memory_space<vmem>>, vector<49x48xf32>,
    } else {
    }
    return
  }
  func.func @transform_0(%arg0: i32, %arg1: i32) -> (i32, i32, i32) {
    %c0_i32 = arith.constant 0 : i32
    %c0_i32_0 = arith.constant 0 : i32
    return %arg0, %arg1, %c0_i32 : i32, i32, i32
  }
  func.func @transform_1(%arg0: i32, %arg1: i32) -> (i32, i32, i32) {
    %c0_i32 = arith.constant 0 : i32
    %c0_i32_0 = arith.constant 0 : i32
    return %arg0, %arg1, %c0_i32 : i32, i32, i32
  }
  func.func @transform_2(%arg0: i32, %arg1: i32) -> (i32, i32, i32) {
    %c0_i32 = arith.constant 0 : i32
    %c0_i32_0 = arith.constant 0 : i32
    return %arg0, %c0_i32, %arg1 : i32, i32, i32
  }
  func.func @transform_3(%arg0: i32, %arg1: i32) -> (i32, i32) {
    %c0_i32 = arith.constant 0 : i32
    %c0_i32_0 = arith.constant 0 : i32
    %c0_i32_1 = arith.constant 0 : i32
    return %c0_i32, %c0_i32_0 : i32, i32
  }
}

module attributes {stable_mosaic.version = 14 : i64} {
  func.func @_pass_d_body(%arg0: i32, %arg1: i32, %arg2: memref<1x37x2048xf32, #tpu.memory_space<vmem>>, %arg3: memref<49x48xf32, #tpu.memory_space<vmem>>, %arg4: memref<64x48xf32, #tpu.memory_space<vmem>>, %arg5: memref<64x1xf32, #tpu.memory_space<vmem>>, %arg6: memref<64x1xf32, #tpu.memory_space<vmem>>, %arg7: memref<65x64xf32, #tpu.memory_space<vmem>>, %arg8: memref<64x64xf32, #tpu.memory_space<vmem>>, %arg9: memref<64x1xf32, #tpu.memory_space<vmem>>) attributes {dimension_semantics = [#tpu.dimension_semantics<arbitrary>, #tpu.dimension_semantics<arbitrary>], iteration_bounds = array<i64: 4, 8>, scalar_prefetch = 0 : i64, scratch_operands = 2 : i64, tpu.core_type = #tpu.core_type<tc>, window_params = [{transform_indices = @transform_0, window_bounds = array<i64: 1, 37, 2048>}, {pipeline_mode = #tpu.pipeline_mode<synchronous>, transform_indices = @transform_1, window_bounds = array<i64: 49, 48>}, {pipeline_mode = #tpu.pipeline_mode<synchronous>, transform_indices = @transform_2, window_bounds = array<i64: 64, 48>}, {pipeline_mode = #tpu.pipeline_mode<synchronous>, transform_indices = @transform_3, window_bounds = array<i64: 64, 1>}, {pipeline_mode = #tpu.pipeline_mode<synchronous>, transform_indices = @transform_4, window_bounds = array<i64: 64, 1>}, {pipeline_mode = #tpu.pipeline_mode<synchronous>, transform_indices = @transform_5, window_bounds = array<i64: 65, 64>}]} {
    %mul3A = arith.constant 8 : i32
    %mul3A_0 = arith.muli %arg0, %mul3A : i32
    %add3A = arith.addi %mul3A_0, %arg1 : i32
    %eq3A = arith.constant 0 : i32
    %eq3A_1 = arith.cmpi eq, %add3A, %eq3A : i32
    %convert_element_type3A = arith.extui %eq3A_1 : i1 to i32
    %cond3A = arith.constant 0 : i32
    %cond3A_2 = arith.cmpi ne, %convert_element_type3A, %cond3A : i32
    scf.if %cond3A_2 {
      %broadcast_in_dim3A_70 = arith.constant 0.000000e+00 : f32
      %broadcast_in_dim3A_71 = vector.broadcast %broadcast_in_dim3A_70 : f32 to vector<64x64xf32>
      %swap3A_72 = arith.constant 0 : index
      %swap3A_73 = arith.constant 0 : index
      %swap3A_74 = vector.load %arg8[%swap3A_72, %swap3A_73] : memref<64x64xf32, #tpu.memory_space<vmem>>, vector<64x64xf32>
      tpu.vector_store %arg8[%swap3A_72, %swap3A_73], %broadcast_in_dim3A_71 {strides = array<i32>} : memref<64x64xf32, #tpu.memory_space<vmem>>, vector<64x64xf32>,
      %broadcast_in_dim3A_75 = arith.constant 0.000000e+00 : f32
      %broadcast_in_dim3A_76 = vector.broadcast %broadcast_in_dim3A_75 : f32 to vector<64x1xf32>
      %swap3A_77 = arith.constant 0 : index
      %swap3A_78 = arith.constant 0 : index
      %swap3A_79 = vector.load %arg9[%swap3A_77, %swap3A_78] : memref<64x1xf32, #tpu.memory_space<vmem>>, vector<64x1xf32>
      tpu.vector_store %arg9[%swap3A_77, %swap3A_78], %broadcast_in_dim3A_76 {strides = array<i32>} : memref<64x1xf32, #tpu.memory_space<vmem>>, vector<64x1xf32>,
    } else {
    }
    %get3A = arith.constant 0 : index
    %get3A_3 = arith.constant 0 : index
    %get3A_4 = vector.load %arg4[%get3A, %get3A_3] : memref<64x48xf32, #tpu.memory_space<vmem>>, vector<64x48xf32>
    %get3A_5 = arith.constant 0 : index
    %get3A_6 = arith.constant 0 : index
    %get3A_7 = vector.load %arg3[%get3A_5, %get3A_6] : memref<49x48xf32, #tpu.memory_space<vmem>>, vector<49x48xf32>
    %get3A_8 = arith.constant 0 : index
    %get3A_9 = arith.constant 0 : index
    %get3A_10 = vector.load %arg5[%get3A_8, %get3A_9] : memref<64x1xf32, #tpu.memory_space<vmem>>, vector<64x1xf32>
    %get3A_11 = arith.constant 0 : index
    %get3A_12 = arith.constant 0 : index
    %get3A_13 = vector.load %arg6[%get3A_11, %get3A_12] : memref<64x1xf32, #tpu.memory_space<vmem>>, vector<64x1xf32>
    %slice3A = vector.extract_strided_slice %get3A_7 {offsets = [48, 0], sizes = [1, 48], strides = [1, 1]} : vector<49x48xf32> to vector<1x48xf32>
    %div3A = arith.constant 6.553600e+04 : f32
    %div3A_14 = vector.broadcast %div3A : f32 to vector<1x48xf32>
    %div3A_15 = arith.divf %slice3A, %div3A_14 : vector<1x48xf32>
    %slice3A_16 = vector.extract_strided_slice %get3A_7 {offsets = [0, 0], sizes = [48, 48], strides = [1, 1]} : vector<49x48xf32> to vector<48x48xf32>
    %div3A_17 = arith.constant 6.553600e+04 : f32
    %div3A_18 = vector.broadcast %div3A_17 : f32 to vector<48x48xf32>
    %div3A_19 = arith.divf %slice3A_16, %div3A_18 : vector<48x48xf32>
    %dot_general3A = arith.constant dense<0.000000e+00> : vector<48x48xf32>
    %dot_general3A_20 = tpu.matmul %div3A_15, %div3A_15, %dot_general3A {dimension_numbers = #tpu.dot_dimension_numbers<[0], [0], [1], [1], [0, 1, 1, 1], [], []>, transpose_lhs_hint = false} : vector<1x48xf32>, vector<1x48xf32>, vector<48x48xf32> -> vector<48x48xf32>
    %sub3A = arith.subf %div3A_19, %dot_general3A_20 : vector<48x48xf32>
    %dot_general3A_21 = arith.constant dense<0.000000e+00> : vector<64x48xf32>
    %dot_general3A_22 = tpu.matmul %get3A_4, %sub3A, %dot_general3A_21 {dimension_numbers = #tpu.dot_dimension_numbers<[1], [0], [0], [1], [0, 0, 1, 1], [], []>, transpose_lhs_hint = false} : vector<64x48xf32>, vector<48x48xf32>, vector<64x48xf32> -> vector<64x48xf32>
    %mul3A_23 = arith.mulf %dot_general3A_22, %get3A_4 : vector<64x48xf32>
    %reduce_sum3A = arith.constant dense<0.000000e+00> : vector<64xf32>
    %reduce_sum3A_24 = vector.multi_reduction <add>, %mul3A_23, %reduce_sum3A [1] : vector<64x48xf32> to vector<64xf32>
    %broadcast_in_dim3A = vector.shape_cast %reduce_sum3A_24 : vector<64xf32> to vector<64x1xf32>
    %dot_general3A_25 = arith.constant dense<0.000000e+00> : vector<64x1xf32>
    %dot_general3A_26 = tpu.matmul %get3A_4, %div3A_15, %dot_general3A_25 {dimension_numbers = #tpu.dot_dimension_numbers<[1], [1], [0], [0], [0, 0, 1, 0], [], []>, transpose_lhs_hint = false} : vector<64x48xf32>, vector<1x48xf32>, vector<64x1xf32> -> vector<64x1xf32>
    %add3A_27 = arith.constant 9.99999974E-6 : f32
    %add3A_28 = vector.broadcast %add3A_27 : f32 to vector<64x1xf32>
    %add3A_29 = arith.addf %broadcast_in_dim3A, %add3A_28 : vector<64x1xf32>
    %rsqrt3A = math.rsqrt %add3A_29 : vector<64x1xf32>
    %mul3A_30 = arith.mulf %get3A_10, %rsqrt3A : vector<64x1xf32>
    %mul3A_31 = arith.mulf %dot_general3A_26, %mul3A_30 : vector<64x1xf32>
    %sub3A_32 = arith.subf %get3A_13, %mul3A_31 : vector<64x1xf32>
    %get3A_33 = arith.constant 0 : index
    %get3A_34 = arith.constant 0 : index
    %get3A_35 = arith.constant 0 : index
    %get3A_36 = vector.load %arg2[%get3A_33, %get3A_34, %get3A_35] : memref<1x37x2048xf32, #tpu.memory_space<vmem>>, vector<1x37x2048xf32>
    %get3A_37 = vector.shape_cast %get3A_36 : vector<1x37x2048xf32> to vector<37x2048xf32>
    %slice3A_38 = vector.extract_strided_slice %get3A_4 {offsets = [0, 0], sizes = [64, 37], strides = [1, 1]} : vector<64x48xf32> to vector<64x37xf32>
    %dot_general3A_39 = arith.constant dense<0.000000e+00> : vector<64x2048xf32>
    %dot_general3A_40 = tpu.matmul %slice3A_38, %get3A_37, %dot_general3A_39 {dimension_numbers = #tpu.dot_dimension_numbers<[1], [0], [0], [1], [0, 0, 1, 1], [], []>, transpose_lhs_hint = false} : vector<64x37xf32>, vector<37x2048xf32>, vector<64x2048xf32> -> vector<64x2048xf32>
    %mul3A_41 = vector.broadcast %mul3A_30 : vector<64x1xf32> to vector<64x2048xf32>
    %mul3A_42 = arith.mulf %dot_general3A_40, %mul3A_41 : vector<64x2048xf32>
    %add3A_43 = vector.broadcast %sub3A_32 : vector<64x1xf32> to vector<64x2048xf32>
    %add3A_44 = arith.addf %mul3A_42, %add3A_43 : vector<64x2048xf32>
    %max3A = arith.constant 0.000000e+00 : f32
    %max3A_45 = vector.broadcast %max3A : f32 to vector<64x2048xf32>
    %max3A_46 = arith.maximumf %add3A_44, %max3A_45 : vector<64x2048xf32>
    %get3A_47 = arith.constant 0 : index
    %get3A_48 = arith.constant 0 : index
    %get3A_49 = vector.load %arg8[%get3A_47, %get3A_48] : memref<64x64xf32, #tpu.memory_space<vmem>>, vector<64x64xf32>
    %dot_general3A_50 = arith.constant dense<0.000000e+00> : vector<64x64xf32>
    %dot_general3A_51 = tpu.matmul %max3A_46, %max3A_46, %dot_general3A_50 {dimension_numbers = #tpu.dot_dimension_numbers<[1], [1], [0], [0], [0, 0, 1, 0], [], []>, transpose_lhs_hint = false} : vector<64x2048xf32>, vector<64x2048xf32>, vector<64x64xf32> -> vector<64x64xf32>
    %add3A_52 = arith.addf %get3A_49, %dot_general3A_51 : vector<64x64xf32>
    %swap3A = arith.constant 0 : index
    %swap3A_53 = arith.constant 0 : index
    %swap3A_54 = vector.load %arg8[%swap3A, %swap3A_53] : memref<64x64xf32, #tpu.memory_space<vmem>>, vector<64x64xf32>
    tpu.vector_store %arg8[%swap3A, %swap3A_53], %add3A_52 {strides = array<i32>} : memref<64x64xf32, #tpu.memory_space<vmem>>, vector<64x64xf32>,
    %get3A_55 = arith.constant 0 : index
    %get3A_56 = arith.constant 0 : index
    %get3A_57 = vector.load %arg9[%get3A_55, %get3A_56] : memref<64x1xf32, #tpu.memory_space<vmem>>, vector<64x1xf32>
    %reduce_sum3A_58 = arith.constant dense<0.000000e+00> : vector<64xf32>
    %reduce_sum3A_59 = vector.multi_reduction <add>, %max3A_46, %reduce_sum3A_58 [1] : vector<64x2048xf32> to vector<64xf32>
    %broadcast_in_dim3A_60 = vector.shape_cast %reduce_sum3A_59 : vector<64xf32> to vector<64x1xf32>
    %add3A_61 = arith.addf %get3A_57, %broadcast_in_dim3A_60 : vector<64x1xf32>
    %swap3A_62 = arith.constant 0 : index
    %swap3A_63 = arith.constant 0 : index
    %swap3A_64 = vector.load %arg9[%swap3A_62, %swap3A_63] : memref<64x1xf32, #tpu.memory_space<vmem>>, vector<64x1xf32>
    tpu.vector_store %arg9[%swap3A_62, %swap3A_63], %add3A_61 {strides = array<i32>} : memref<64x1xf32, #tpu.memory_space<vmem>>, vector<64x1xf32>,
    %eq3A_65 = arith.constant 31 : i32
    %eq3A_66 = arith.cmpi eq, %add3A, %eq3A_65 : i32
    %convert_element_type3A_67 = arith.extui %eq3A_66 : i1 to i32
    %cond3A_68 = arith.constant 0 : i32
    %cond3A_69 = arith.cmpi ne, %convert_element_type3A_67, %cond3A_68 : i32
    scf.if %cond3A_69 {
      %get3A_70 = arith.constant 0 : index
      %get3A_71 = arith.constant 0 : index
      %get3A_72 = vector.load %arg8[%get3A_70, %get3A_71] : memref<64x64xf32, #tpu.memory_space<vmem>>, vector<64x64xf32>
      %get3A_73 = arith.constant 0 : index
      %get3A_74 = arith.constant 0 : index
      %get3A_75 = vector.load %arg9[%get3A_73, %get3A_74] : memref<64x1xf32, #tpu.memory_space<vmem>>, vector<64x1xf32>
      %transpose3A = tpu.transpose %get3A_75, [1, 0] : vector<64x1xf32> -> vector<1x64xf32>
      %concatenate3A = tpu.concatenate %get3A_72, %transpose3A in 0 : vector<64x64xf32>, vector<1x64xf32> -> vector<65x64xf32>
      %swap3A_76 = arith.constant 0 : index
      %swap3A_77 = arith.constant 0 : index
      %swap3A_78 = vector.load %arg7[%swap3A_76, %swap3A_77] : memref<65x64xf32, #tpu.memory_space<vmem>>, vector<65x64xf32>
      tpu.vector_store %arg7[%swap3A_76, %swap3A_77], %concatenate3A {strides = array<i32>} : memref<65x64xf32, #tpu.memory_space<vmem>>, vector<65x64xf32>,
    } else {
    }
    return
  }
  func.func @transform_0(%arg0: i32, %arg1: i32) -> (i32, i32, i32) {
    %c0_i32 = arith.constant 0 : i32
    %c0_i32_0 = arith.constant 0 : i32
    return %arg0, %c0_i32, %arg1 : i32, i32, i32
  }
  func.func @transform_1(%arg0: i32, %arg1: i32) -> (i32, i32) {
    %c0_i32 = arith.constant 0 : i32
    %c0_i32_0 = arith.constant 0 : i32
    %c0_i32_1 = arith.constant 0 : i32
    return %c0_i32, %c0_i32_0 : i32, i32
  }
  func.func @transform_2(%arg0: i32, %arg1: i32) -> (i32, i32) {
    %c0_i32 = arith.constant 0 : i32
    %c0_i32_0 = arith.constant 0 : i32
    %c0_i32_1 = arith.constant 0 : i32
    return %c0_i32, %c0_i32_0 : i32, i32
  }
  func.func @transform_3(%arg0: i32, %arg1: i32) -> (i32, i32) {
    %c0_i32 = arith.constant 0 : i32
    %c0_i32_0 = arith.constant 0 : i32
    %c0_i32_1 = arith.constant 0 : i32
    return %c0_i32, %c0_i32_0 : i32, i32
  }
  func.func @transform_4(%arg0: i32, %arg1: i32) -> (i32, i32) {
    %c0_i32 = arith.constant 0 : i32
    %c0_i32_0 = arith.constant 0 : i32
    %c0_i32_1 = arith.constant 0 : i32
    return %c0_i32, %c0_i32_0 : i32, i32
  }
  func.func @transform_5(%arg0: i32, %arg1: i32) -> (i32, i32) {
    %c0_i32 = arith.constant 0 : i32
    %c0_i32_0 = arith.constant 0 : i32
    %c0_i32_1 = arith.constant 0 : i32
    return %c0_i32, %c0_i32_0 : i32, i32
  }
}

module attributes {stable_mosaic.version = 14 : i64} {
  func.func @_pass_e_body(%arg0: i32, %arg1: i32, %arg2: memref<1x37x2048xf32, #tpu.memory_space<vmem>>, %arg3: memref<1x128x48xf32, #tpu.memory_space<vmem>>, %arg4: memref<2048x128xf32, #tpu.memory_space<vmem>>, %arg5: memref<49x48xf32, #tpu.memory_space<vmem>>, %arg6: memref<65x64xf32, #tpu.memory_space<vmem>>, %arg7: memref<64x48xf32, #tpu.memory_space<vmem>>, %arg8: memref<64x1xf32, #tpu.memory_space<vmem>>, %arg9: memref<64x1xf32, #tpu.memory_space<vmem>>, %arg10: memref<128x64xf32, #tpu.memory_space<vmem>>, %arg11: memref<128x1xf32, #tpu.memory_space<vmem>>, %arg12: memref<128x1xf32, #tpu.memory_space<vmem>>, %arg13: memref<1x128x3xf32, #tpu.memory_space<vmem>>, %arg14: memref<1x128x2048xf32, #tpu.memory_space<vmem>>, %arg15: memref<1x128x128xf32, #tpu.memory_space<vmem>>, %arg16: memref<1x128x1xf32, #tpu.memory_space<vmem>>, %arg17: memref<129x128xf32, #tpu.memory_space<vmem>>, %arg18: memref<128x128xf32, #tpu.memory_space<vmem>>, %arg19: memref<128x1xf32, #tpu.memory_space<vmem>>) attributes {dimension_semantics = [#tpu.dimension_semantics<arbitrary>, #tpu.dimension_semantics<arbitrary>], iteration_bounds = array<i64: 4, 8>, scalar_prefetch = 0 : i64, scratch_operands = 2 : i64, tpu.core_type = #tpu.core_type<tc>, window_params = [{transform_indices = @transform_0, window_bounds = array<i64: 1, 37, 2048>}, {transform_indices = @transform_1, window_bounds = array<i64: 1, 128, 48>}, {pipeline_mode = #tpu.pipeline_mode<synchronous>, transform_indices = @transform_2, window_bounds = array<i64: 2048, 128>}, {pipeline_mode = #tpu.pipeline_mode<synchronous>, transform_indices = @transform_3, window_bounds = array<i64: 49, 48>}, {pipeline_mode = #tpu.pipeline_mode<synchronous>, transform_indices = @transform_4, window_bounds = array<i64: 65, 64>}, {pipeline_mode = #tpu.pipeline_mode<synchronous>, transform_indices = @transform_5, window_bounds = array<i64: 64, 48>}, {pipeline_mode = #tpu.pipeline_mode<synchronous>, transform_indices = @transform_6, window_bounds = array<i64: 64, 1>}, {pipeline_mode = #tpu.pipeline_mode<synchronous>, transform_indices = @transform_7, window_bounds = array<i64: 64, 1>}, {pipeline_mode = #tpu.pipeline_mode<synchronous>, transform_indices = @transform_8, window_bounds = array<i64: 128, 64>}, {pipeline_mode = #tpu.pipeline_mode<synchronous>, transform_indices = @transform_9, window_bounds = array<i64: 128, 1>}, {pipeline_mode = #tpu.pipeline_mode<synchronous>, transform_indices = @transform_10, window_bounds = array<i64: 128, 1>}, {transform_indices = @transform_11, window_bounds = array<i64: 1, 128, 3>}, {transform_indices = @transform_12, window_bounds = array<i64: 1, 128, 2048>}, {transform_indices = @transform_13, window_bounds = array<i64: 1, 128, 128>}, {transform_indices = @transform_14, window_bounds = array<i64: 1, 128, 1>}, {pipeline_mode = #tpu.pipeline_mode<synchronous>, transform_indices = @transform_15, window_bounds = array<i64: 129, 128>}]} {
    %mul3A = arith.constant 8 : i32
    %mul3A_0 = arith.muli %arg0, %mul3A : i32
    %add3A = arith.addi %mul3A_0, %arg1 : i32
    %eq3A = arith.constant 0 : i32
    %eq3A_1 = arith.cmpi eq, %add3A, %eq3A : i32
    %convert_element_type3A = arith.extui %eq3A_1 : i1 to i32
    %cond3A = arith.constant 0 : i32
    %cond3A_2 = arith.cmpi ne, %convert_element_type3A, %cond3A : i32
    scf.if %cond3A_2 {
      %broadcast_in_dim3A_169 = arith.constant 0.000000e+00 : f32
      %broadcast_in_dim3A_170 = vector.broadcast %broadcast_in_dim3A_169 : f32 to vector<128x128xf32>
      %swap3A_171 = arith.constant 0 : index
      %swap3A_172 = arith.constant 0 : index
      %swap3A_173 = vector.load %arg18[%swap3A_171, %swap3A_172] : memref<128x128xf32, #tpu.memory_space<vmem>>, vector<128x128xf32>
      tpu.vector_store %arg18[%swap3A_171, %swap3A_172], %broadcast_in_dim3A_170 {strides = array<i32>} : memref<128x128xf32, #tpu.memory_space<vmem>>, vector<128x128xf32>,
      %broadcast_in_dim3A_174 = arith.constant 0.000000e+00 : f32
      %broadcast_in_dim3A_175 = vector.broadcast %broadcast_in_dim3A_174 : f32 to vector<128x1xf32>
      %swap3A_176 = arith.constant 0 : index
      %swap3A_177 = arith.constant 0 : index
      %swap3A_178 = vector.load %arg19[%swap3A_176, %swap3A_177] : memref<128x1xf32, #tpu.memory_space<vmem>>, vector<128x1xf32>
      tpu.vector_store %arg19[%swap3A_176, %swap3A_177], %broadcast_in_dim3A_175 {strides = array<i32>} : memref<128x1xf32, #tpu.memory_space<vmem>>, vector<128x1xf32>,
    } else {
    }
    %get3A = arith.constant 0 : index
    %get3A_3 = arith.constant 0 : index
    %get3A_4 = vector.load %arg7[%get3A, %get3A_3] : memref<64x48xf32, #tpu.memory_space<vmem>>, vector<64x48xf32>
    %get3A_5 = arith.constant 0 : index
    %get3A_6 = arith.constant 0 : index
    %get3A_7 = vector.load %arg10[%get3A_5, %get3A_6] : memref<128x64xf32, #tpu.memory_space<vmem>>, vector<128x64xf32>
    %get3A_8 = arith.constant 0 : index
    %get3A_9 = arith.constant 0 : index
    %get3A_10 = vector.load %arg5[%get3A_8, %get3A_9] : memref<49x48xf32, #tpu.memory_space<vmem>>, vector<49x48xf32>
    %get3A_11 = arith.constant 0 : index
    %get3A_12 = arith.constant 0 : index
    %get3A_13 = vector.load %arg8[%get3A_11, %get3A_12] : memref<64x1xf32, #tpu.memory_space<vmem>>, vector<64x1xf32>
    %get3A_14 = arith.constant 0 : index
    %get3A_15 = arith.constant 0 : index
    %get3A_16 = vector.load %arg9[%get3A_14, %get3A_15] : memref<64x1xf32, #tpu.memory_space<vmem>>, vector<64x1xf32>
    %slice3A = vector.extract_strided_slice %get3A_10 {offsets = [48, 0], sizes = [1, 48], strides = [1, 1]} : vector<49x48xf32> to vector<1x48xf32>
    %div3A = arith.constant 6.553600e+04 : f32
    %div3A_17 = vector.broadcast %div3A : f32 to vector<1x48xf32>
    %div3A_18 = arith.divf %slice3A, %div3A_17 : vector<1x48xf32>
    %slice3A_19 = vector.extract_strided_slice %get3A_10 {offsets = [0, 0], sizes = [48, 48], strides = [1, 1]} : vector<49x48xf32> to vector<48x48xf32>
    %div3A_20 = arith.constant 6.553600e+04 : f32
    %div3A_21 = vector.broadcast %div3A_20 : f32 to vector<48x48xf32>
    %div3A_22 = arith.divf %slice3A_19, %div3A_21 : vector<48x48xf32>
    %dot_general3A = arith.constant dense<0.000000e+00> : vector<48x48xf32>
    %dot_general3A_23 = tpu.matmul %div3A_18, %div3A_18, %dot_general3A {dimension_numbers = #tpu.dot_dimension_numbers<[0], [0], [1], [1], [0, 1, 1, 1], [], []>, transpose_lhs_hint = false} : vector<1x48xf32>, vector<1x48xf32>, vector<48x48xf32> -> vector<48x48xf32>
    %sub3A = arith.subf %div3A_22, %dot_general3A_23 : vector<48x48xf32>
    %dot_general3A_24 = arith.constant dense<0.000000e+00> : vector<64x48xf32>
    %dot_general3A_25 = tpu.matmul %get3A_4, %sub3A, %dot_general3A_24 {dimension_numbers = #tpu.dot_dimension_numbers<[1], [0], [0], [1], [0, 0, 1, 1], [], []>, transpose_lhs_hint = false} : vector<64x48xf32>, vector<48x48xf32>, vector<64x48xf32> -> vector<64x48xf32>
    %mul3A_26 = arith.mulf %dot_general3A_25, %get3A_4 : vector<64x48xf32>
    %reduce_sum3A = arith.constant dense<0.000000e+00> : vector<64xf32>
    %reduce_sum3A_27 = vector.multi_reduction <add>, %mul3A_26, %reduce_sum3A [1] : vector<64x48xf32> to vector<64xf32>
    %broadcast_in_dim3A = vector.shape_cast %reduce_sum3A_27 : vector<64xf32> to vector<64x1xf32>
    %dot_general3A_28 = arith.constant dense<0.000000e+00> : vector<64x1xf32>
    %dot_general3A_29 = tpu.matmul %get3A_4, %div3A_18, %dot_general3A_28 {dimension_numbers = #tpu.dot_dimension_numbers<[1], [1], [0], [0], [0, 0, 1, 0], [], []>, transpose_lhs_hint = false} : vector<64x48xf32>, vector<1x48xf32>, vector<64x1xf32> -> vector<64x1xf32>
    %add3A_30 = arith.constant 9.99999974E-6 : f32
    %add3A_31 = vector.broadcast %add3A_30 : f32 to vector<64x1xf32>
    %add3A_32 = arith.addf %broadcast_in_dim3A, %add3A_31 : vector<64x1xf32>
    %rsqrt3A = math.rsqrt %add3A_32 : vector<64x1xf32>
    %mul3A_33 = arith.mulf %get3A_13, %rsqrt3A : vector<64x1xf32>
    %mul3A_34 = arith.mulf %dot_general3A_29, %mul3A_33 : vector<64x1xf32>
    %sub3A_35 = arith.subf %get3A_16, %mul3A_34 : vector<64x1xf32>
    %get3A_36 = arith.constant 0 : index
    %get3A_37 = arith.constant 0 : index
    %get3A_38 = vector.load %arg6[%get3A_36, %get3A_37] : memref<65x64xf32, #tpu.memory_space<vmem>>, vector<65x64xf32>
    %get3A_39 = arith.constant 0 : index
    %get3A_40 = arith.constant 0 : index
    %get3A_41 = vector.load %arg11[%get3A_39, %get3A_40] : memref<128x1xf32, #tpu.memory_space<vmem>>, vector<128x1xf32>
    %get3A_42 = arith.constant 0 : index
    %get3A_43 = arith.constant 0 : index
    %get3A_44 = vector.load %arg12[%get3A_42, %get3A_43] : memref<128x1xf32, #tpu.memory_space<vmem>>, vector<128x1xf32>
    %slice3A_45 = vector.extract_strided_slice %get3A_38 {offsets = [64, 0], sizes = [1, 64], strides = [1, 1]} : vector<65x64xf32> to vector<1x64xf32>
    %div3A_46 = arith.constant 6.553600e+04 : f32
    %div3A_47 = vector.broadcast %div3A_46 : f32 to vector<1x64xf32>
    %div3A_48 = arith.divf %slice3A_45, %div3A_47 : vector<1x64xf32>
    %slice3A_49 = vector.extract_strided_slice %get3A_38 {offsets = [0, 0], sizes = [64, 64], strides = [1, 1]} : vector<65x64xf32> to vector<64x64xf32>
    %div3A_50 = arith.constant 6.553600e+04 : f32
    %div3A_51 = vector.broadcast %div3A_50 : f32 to vector<64x64xf32>
    %div3A_52 = arith.divf %slice3A_49, %div3A_51 : vector<64x64xf32>
    %dot_general3A_53 = arith.constant dense<0.000000e+00> : vector<64x64xf32>
    %dot_general3A_54 = tpu.matmul %div3A_48, %div3A_48, %dot_general3A_53 {dimension_numbers = #tpu.dot_dimension_numbers<[0], [0], [1], [1], [0, 1, 1, 1], [], []>, transpose_lhs_hint = false} : vector<1x64xf32>, vector<1x64xf32>, vector<64x64xf32> -> vector<64x64xf32>
    %sub3A_55 = arith.subf %div3A_52, %dot_general3A_54 : vector<64x64xf32>
    %dot_general3A_56 = arith.constant dense<0.000000e+00> : vector<128x64xf32>
    %dot_general3A_57 = tpu.matmul %get3A_7, %sub3A_55, %dot_general3A_56 {dimension_numbers = #tpu.dot_dimension_numbers<[1], [0], [0], [1], [0, 0, 1, 1], [], []>, transpose_lhs_hint = false} : vector<128x64xf32>, vector<64x64xf32>, vector<128x64xf32> -> vector<128x64xf32>
    %mul3A_58 = arith.mulf %dot_general3A_57, %get3A_7 : vector<128x64xf32>
    %reduce_sum3A_59 = arith.constant dense<0.000000e+00> : vector<128xf32>
    %reduce_sum3A_60 = vector.multi_reduction <add>, %mul3A_58, %reduce_sum3A_59 [1] : vector<128x64xf32> to vector<128xf32>
    %broadcast_in_dim3A_61 = vector.shape_cast %reduce_sum3A_60 : vector<128xf32> to vector<128x1xf32>
    %dot_general3A_62 = arith.constant dense<0.000000e+00> : vector<128x1xf32>
    %dot_general3A_63 = tpu.matmul %get3A_7, %div3A_48, %dot_general3A_62 {dimension_numbers = #tpu.dot_dimension_numbers<[1], [1], [0], [0], [0, 0, 1, 0], [], []>, transpose_lhs_hint = false} : vector<128x64xf32>, vector<1x64xf32>, vector<128x1xf32> -> vector<128x1xf32>
    %add3A_64 = arith.constant 9.99999974E-6 : f32
    %add3A_65 = vector.broadcast %add3A_64 : f32 to vector<128x1xf32>
    %add3A_66 = arith.addf %broadcast_in_dim3A_61, %add3A_65 : vector<128x1xf32>
    %rsqrt3A_67 = math.rsqrt %add3A_66 : vector<128x1xf32>
    %mul3A_68 = arith.mulf %get3A_41, %rsqrt3A_67 : vector<128x1xf32>
    %mul3A_69 = arith.mulf %dot_general3A_63, %mul3A_68 : vector<128x1xf32>
    %sub3A_70 = arith.subf %get3A_44, %mul3A_69 : vector<128x1xf32>
    %get3A_71 = arith.constant 0 : index
    %get3A_72 = arith.constant 0 : index
    %get3A_73 = arith.constant 0 : index
    %get3A_74 = vector.load %arg2[%get3A_71, %get3A_72, %get3A_73] : memref<1x37x2048xf32, #tpu.memory_space<vmem>>, vector<1x37x2048xf32>
    %get3A_75 = vector.shape_cast %get3A_74 : vector<1x37x2048xf32> to vector<37x2048xf32>
    %slice3A_76 = vector.extract_strided_slice %get3A_4 {offsets = [0, 0], sizes = [64, 37], strides = [1, 1]} : vector<64x48xf32> to vector<64x37xf32>
    %dot_general3A_77 = arith.constant dense<0.000000e+00> : vector<64x2048xf32>
    %dot_general3A_78 = tpu.matmul %slice3A_76, %get3A_75, %dot_general3A_77 {dimension_numbers = #tpu.dot_dimension_numbers<[1], [0], [0], [1], [0, 0, 1, 1], [], []>, transpose_lhs_hint = false} : vector<64x37xf32>, vector<37x2048xf32>, vector<64x2048xf32> -> vector<64x2048xf32>
    %mul3A_79 = vector.broadcast %mul3A_33 : vector<64x1xf32> to vector<64x2048xf32>
    %mul3A_80 = arith.mulf %dot_general3A_78, %mul3A_79 : vector<64x2048xf32>
    %add3A_81 = vector.broadcast %sub3A_35 : vector<64x1xf32> to vector<64x2048xf32>
    %add3A_82 = arith.addf %mul3A_80, %add3A_81 : vector<64x2048xf32>
    %max3A = arith.constant 0.000000e+00 : f32
    %max3A_83 = vector.broadcast %max3A : f32 to vector<64x2048xf32>
    %max3A_84 = arith.maximumf %add3A_82, %max3A_83 : vector<64x2048xf32>
    %dot_general3A_85 = arith.constant dense<0.000000e+00> : vector<128x2048xf32>
    %dot_general3A_86 = tpu.matmul %get3A_7, %max3A_84, %dot_general3A_85 {dimension_numbers = #tpu.dot_dimension_numbers<[1], [0], [0], [1], [0, 0, 1, 1], [], []>, transpose_lhs_hint = false} : vector<128x64xf32>, vector<64x2048xf32>, vector<128x2048xf32> -> vector<128x2048xf32>
    %mul3A_87 = vector.broadcast %mul3A_68 : vector<128x1xf32> to vector<128x2048xf32>
    %mul3A_88 = arith.mulf %dot_general3A_86, %mul3A_87 : vector<128x2048xf32>
    %add3A_89 = vector.broadcast %sub3A_70 : vector<128x1xf32> to vector<128x2048xf32>
    %add3A_90 = arith.addf %mul3A_88, %add3A_89 : vector<128x2048xf32>
    %max3A_91 = arith.constant 0.000000e+00 : f32
    %max3A_92 = vector.broadcast %max3A_91 : f32 to vector<128x2048xf32>
    %max3A_93 = arith.maximumf %add3A_90, %max3A_92 : vector<128x2048xf32>
    %get3A_94 = arith.constant 0 : index
    %get3A_95 = arith.constant 0 : index
    %get3A_96 = vector.load %arg4[%get3A_94, %get3A_95] : memref<2048x128xf32, #tpu.memory_space<vmem>>, vector<2048x128xf32>
    %reduce_max3A = arith.constant dense<0xFF800000> : vector<2048xf32>
    %reduce_max3A_97 = vector.multi_reduction <maximumf>, %max3A_93, %reduce_max3A [0] : vector<128x2048xf32> to vector<2048xf32>
    %broadcast_in_dim3A_98 = vector.shape_cast %reduce_max3A_97 : vector<2048xf32> to vector<1x2048xf32>
    %exp3A = math.exp %broadcast_in_dim3A_98 : vector<1x2048xf32>
    %dot_general3A_99 = arith.constant dense<0.000000e+00> : vector<1x128xf32>
    %dot_general3A_100 = tpu.matmul %exp3A, %get3A_96, %dot_general3A_99 {dimension_numbers = #tpu.dot_dimension_numbers<[1], [0], [0], [1], [0, 0, 1, 1], [], []>, transpose_lhs_hint = false} : vector<1x2048xf32>, vector<2048x128xf32>, vector<1x128xf32> -> vector<1x128xf32>
    %dot_general3A_101 = arith.constant dense<0.000000e+00> : vector<1x2048xf32>
    %dot_general3A_102 = tpu.matmul %dot_general3A_100, %get3A_96, %dot_general3A_101 {dimension_numbers = #tpu.dot_dimension_numbers<[1], [1], [0], [0], [0, 0, 1, 0], [], []>, transpose_lhs_hint = false} : vector<1x128xf32>, vector<2048x128xf32>, vector<1x2048xf32> -> vector<1x2048xf32>
    %div3A_103 = arith.divf %exp3A, %dot_general3A_102 : vector<1x2048xf32>
    %mul3A_104 = vector.broadcast %div3A_103 : vector<1x2048xf32> to vector<128x2048xf32>
    %mul3A_105 = arith.mulf %max3A_93, %mul3A_104 : vector<128x2048xf32>
    %swap3A = arith.constant 0 : index
    %swap3A_106 = arith.constant 0 : index
    %swap3A_107 = arith.constant 0 : index
    %swap3A_108 = vector.load %arg14[%swap3A, %swap3A_106, %swap3A_107] : memref<1x128x2048xf32, #tpu.memory_space<vmem>>, vector<1x128x2048xf32>
    %swap3A_109 = vector.shape_cast %swap3A_108 : vector<1x128x2048xf32> to vector<128x2048xf32>
    %swap3A_110 = vector.shape_cast %mul3A_105 : vector<128x2048xf32> to vector<1x128x2048xf32>
    tpu.vector_store %arg14[%swap3A, %swap3A_106, %swap3A_107], %swap3A_110 {strides = array<i32>} : memref<1x128x2048xf32, #tpu.memory_space<vmem>>, vector<1x128x2048xf32>,
    %dot_general3A_111 = arith.constant dense<0.000000e+00> : vector<128x128xf32>
    %dot_general3A_112 = tpu.matmul %mul3A_105, %get3A_96, %dot_general3A_111 {dimension_numbers = #tpu.dot_dimension_numbers<[1], [0], [0], [1], [0, 0, 1, 1], [], []>, transpose_lhs_hint = false} : vector<128x2048xf32>, vector<2048x128xf32>, vector<128x128xf32> -> vector<128x128xf32>
    %swap3A_113 = arith.constant 0 : index
    %swap3A_114 = arith.constant 0 : index
    %swap3A_115 = arith.constant 0 : index
    %swap3A_116 = vector.load %arg15[%swap3A_113, %swap3A_114, %swap3A_115] : memref<1x128x128xf32, #tpu.memory_space<vmem>>, vector<1x128x128xf32>
    %swap3A_117 = vector.shape_cast %swap3A_116 : vector<1x128x128xf32> to vector<128x128xf32>
    %swap3A_118 = vector.shape_cast %dot_general3A_112 : vector<128x128xf32> to vector<1x128x128xf32>
    tpu.vector_store %arg15[%swap3A_113, %swap3A_114, %swap3A_115], %swap3A_118 {strides = array<i32>} : memref<1x128x128xf32, #tpu.memory_space<vmem>>, vector<1x128x128xf32>,
    %get3A_119 = arith.constant 0 : index
    %get3A_120 = arith.constant 0 : index
    %get3A_121 = vector.load %arg18[%get3A_119, %get3A_120] : memref<128x128xf32, #tpu.memory_space<vmem>>, vector<128x128xf32>
    %dot_general3A_122 = arith.constant dense<0.000000e+00> : vector<128x128xf32>
    %dot_general3A_123 = tpu.matmul %dot_general3A_112, %dot_general3A_112, %dot_general3A_122 {dimension_numbers = #tpu.dot_dimension_numbers<[1], [1], [0], [0], [0, 0, 1, 0], [], []>, transpose_lhs_hint = false} : vector<128x128xf32>, vector<128x128xf32>, vector<128x128xf32> -> vector<128x128xf32>
    %add3A_124 = arith.addf %get3A_121, %dot_general3A_123 : vector<128x128xf32>
    %swap3A_125 = arith.constant 0 : index
    %swap3A_126 = arith.constant 0 : index
    %swap3A_127 = vector.load %arg18[%swap3A_125, %swap3A_126] : memref<128x128xf32, #tpu.memory_space<vmem>>, vector<128x128xf32>
    tpu.vector_store %arg18[%swap3A_125, %swap3A_126], %add3A_124 {strides = array<i32>} : memref<128x128xf32, #tpu.memory_space<vmem>>, vector<128x128xf32>,
    %get3A_128 = arith.constant 0 : index
    %get3A_129 = arith.constant 0 : index
    %get3A_130 = vector.load %arg19[%get3A_128, %get3A_129] : memref<128x1xf32, #tpu.memory_space<vmem>>, vector<128x1xf32>
    %reduce_sum3A_131 = arith.constant dense<0.000000e+00> : vector<128xf32>
    %reduce_sum3A_132 = vector.multi_reduction <add>, %dot_general3A_112, %reduce_sum3A_131 [1] : vector<128x128xf32> to vector<128xf32>
    %broadcast_in_dim3A_133 = vector.shape_cast %reduce_sum3A_132 : vector<128xf32> to vector<128x1xf32>
    %add3A_134 = arith.addf %get3A_130, %broadcast_in_dim3A_133 : vector<128x1xf32>
    %swap3A_135 = arith.constant 0 : index
    %swap3A_136 = arith.constant 0 : index
    %swap3A_137 = vector.load %arg19[%swap3A_135, %swap3A_136] : memref<128x1xf32, #tpu.memory_space<vmem>>, vector<128x1xf32>
    tpu.vector_store %arg19[%swap3A_135, %swap3A_136], %add3A_134 {strides = array<i32>} : memref<128x1xf32, #tpu.memory_space<vmem>>, vector<128x1xf32>,
    %get3A_138 = arith.constant 0 : index
    %get3A_139 = arith.constant 0 : index
    %get3A_140 = arith.constant 0 : index
    %get3A_141 = vector.load %arg3[%get3A_138, %get3A_139, %get3A_140] : memref<1x128x48xf32, #tpu.memory_space<vmem>>, vector<1x128x48xf32>
    %get3A_142 = vector.shape_cast %get3A_141 : vector<1x128x48xf32> to vector<128x48xf32>
    %slice3A_143 = vector.extract_strided_slice %get3A_75 {offsets = [0, 0], sizes = [8, 2048], strides = [1, 1]} : vector<37x2048xf32> to vector<8x2048xf32>
    %mul3A_144 = vector.broadcast %div3A_103 : vector<1x2048xf32> to vector<8x2048xf32>
    %mul3A_145 = arith.mulf %slice3A_143, %mul3A_144 : vector<8x2048xf32>
    %dot_general3A_146 = arith.constant dense<0.000000e+00> : vector<8x128xf32>
    %dot_general3A_147 = tpu.matmul %mul3A_145, %get3A_96, %dot_general3A_146 {dimension_numbers = #tpu.dot_dimension_numbers<[1], [0], [0], [1], [0, 0, 1, 1], [], []>, transpose_lhs_hint = false} : vector<8x2048xf32>, vector<2048x128xf32>, vector<8x128xf32> -> vector<8x128xf32>
    %transpose3A = tpu.transpose %dot_general3A_147, [1, 0] : vector<8x128xf32> -> vector<128x8xf32>
    %slice3A_148 = vector.extract_strided_slice %transpose3A {offsets = [0, 0], sizes = [128, 3], strides = [1, 1]} : vector<128x8xf32> to vector<128x3xf32>
    %slice3A_149 = vector.extract_strided_slice %get3A_142 {offsets = [0, 0], sizes = [128, 3], strides = [1, 1]} : vector<128x48xf32> to vector<128x3xf32>
    %add3A_150 = arith.addf %slice3A_148, %slice3A_149 : vector<128x3xf32>
    %swap3A_151 = arith.constant 0 : index
    %swap3A_152 = arith.constant 0 : index
    %swap3A_153 = arith.constant 0 : index
    %swap3A_154 = vector.load %arg13[%swap3A_151, %swap3A_152, %swap3A_153] : memref<1x128x3xf32, #tpu.memory_space<vmem>>, vector<1x128x3xf32>
    %swap3A_155 = vector.shape_cast %swap3A_154 : vector<1x128x3xf32> to vector<128x3xf32>
    %swap3A_156 = vector.shape_cast %add3A_150 : vector<128x3xf32> to vector<1x128x3xf32>
    tpu.vector_store %arg13[%swap3A_151, %swap3A_152, %swap3A_153], %swap3A_156 {strides = array<i32>} : memref<1x128x3xf32, #tpu.memory_space<vmem>>, vector<1x128x3xf32>,
    %slice3A_157 = vector.extract_strided_slice %transpose3A {offsets = [0, 4], sizes = [128, 1], strides = [1, 1]} : vector<128x8xf32> to vector<128x1xf32>
    %swap3A_158 = arith.constant 0 : index
    %swap3A_159 = arith.constant 0 : index
    %swap3A_160 = arith.constant 0 : index
    %swap3A_161 = vector.load %arg16[%swap3A_158, %swap3A_159, %swap3A_160] : memref<1x128x1xf32, #tpu.memory_space<vmem>>, vector<1x128x1xf32>
    %swap3A_162 = vector.shape_cast %swap3A_161 : vector<1x128x1xf32> to vector<128x1xf32>
    %swap3A_163 = vector.shape_cast %slice3A_157 : vector<128x1xf32> to vector<1x128x1xf32>
    tpu.vector_store %arg16[%swap3A_158, %swap3A_159, %swap3A_160], %swap3A_163 {strides = array<i32>} : memref<1x128x1xf32, #tpu.memory_space<vmem>>, vector<1x128x1xf32>,
    %eq3A_164 = arith.constant 31 : i32
    %eq3A_165 = arith.cmpi eq, %add3A, %eq3A_164 : i32
    %convert_element_type3A_166 = arith.extui %eq3A_165 : i1 to i32
    %cond3A_167 = arith.constant 0 : i32
    %cond3A_168 = arith.cmpi ne, %convert_element_type3A_166, %cond3A_167 : i32
    scf.if %cond3A_168 {
      %get3A_169 = arith.constant 0 : index
      %get3A_170 = arith.constant 0 : index
      %get3A_171 = vector.load %arg18[%get3A_169, %get3A_170] : memref<128x128xf32, #tpu.memory_space<vmem>>, vector<128x128xf32>
      %get3A_172 = arith.constant 0 : index
      %get3A_173 = arith.constant 0 : index
      %get3A_174 = vector.load %arg19[%get3A_172, %get3A_173] : memref<128x1xf32, #tpu.memory_space<vmem>>, vector<128x1xf32>
      %transpose3A_175 = tpu.transpose %get3A_174, [1, 0] : vector<128x1xf32> -> vector<1x128xf32>
      %concatenate3A = tpu.concatenate %get3A_171, %transpose3A_175 in 0 : vector<128x128xf32>, vector<1x128xf32> -> vector<129x128xf32>
      %swap3A_176 = arith.constant 0 : index
      %swap3A_177 = arith.constant 0 : index
      %swap3A_178 = vector.load %arg17[%swap3A_176, %swap3A_177] : memref<129x128xf32, #tpu.memory_space<vmem>>, vector<129x128xf32>
      tpu.vector_store %arg17[%swap3A_176, %swap3A_177], %concatenate3A {strides = array<i32>} : memref<129x128xf32, #tpu.memory_space<vmem>>, vector<129x128xf32>,
    } else {
    }
    return
  }
  func.func @transform_0(%arg0: i32, %arg1: i32) -> (i32, i32, i32) {
    %c0_i32 = arith.constant 0 : i32
    %c0_i32_0 = arith.constant 0 : i32
    return %arg0, %c0_i32, %arg1 : i32, i32, i32
  }
  func.func @transform_1(%arg0: i32, %arg1: i32) -> (i32, i32, i32) {
    %c0_i32 = arith.constant 0 : i32
    %c0_i32_0 = arith.constant 0 : i32
    return %arg0, %arg1, %c0_i32 : i32, i32, i32
  }
  func.func @transform_2(%arg0: i32, %arg1: i32) -> (i32, i32) {
    %c0_i32 = arith.constant 0 : i32
    %c0_i32_0 = arith.constant 0 : i32
    %c0_i32_1 = arith.constant 0 : i32
    return %c0_i32, %c0_i32_0 : i32, i32
  }
  func.func @transform_3(%arg0: i32, %arg1: i32) -> (i32, i32) {
    %c0_i32 = arith.constant 0 : i32
    %c0_i32_0 = arith.constant 0 : i32
    %c0_i32_1 = arith.constant 0 : i32
    return %c0_i32, %c0_i32_0 : i32, i32
  }
  func.func @transform_4(%arg0: i32, %arg1: i32) -> (i32, i32) {
    %c0_i32 = arith.constant 0 : i32
    %c0_i32_0 = arith.constant 0 : i32
    %c0_i32_1 = arith.constant 0 : i32
    return %c0_i32, %c0_i32_0 : i32, i32
  }
  func.func @transform_5(%arg0: i32, %arg1: i32) -> (i32, i32) {
    %c0_i32 = arith.constant 0 : i32
    %c0_i32_0 = arith.constant 0 : i32
    %c0_i32_1 = arith.constant 0 : i32
    return %c0_i32, %c0_i32_0 : i32, i32
  }
  func.func @transform_6(%arg0: i32, %arg1: i32) -> (i32, i32) {
    %c0_i32 = arith.constant 0 : i32
    %c0_i32_0 = arith.constant 0 : i32
    %c0_i32_1 = arith.constant 0 : i32
    return %c0_i32, %c0_i32_0 : i32, i32
  }
  func.func @transform_7(%arg0: i32, %arg1: i32) -> (i32, i32) {
    %c0_i32 = arith.constant 0 : i32
    %c0_i32_0 = arith.constant 0 : i32
    %c0_i32_1 = arith.constant 0 : i32
    return %c0_i32, %c0_i32_0 : i32, i32
  }
  func.func @transform_8(%arg0: i32, %arg1: i32) -> (i32, i32) {
    %c0_i32 = arith.constant 0 : i32
    %c0_i32_0 = arith.constant 0 : i32
    %c0_i32_1 = arith.constant 0 : i32
    return %c0_i32, %c0_i32_0 : i32, i32
  }
  func.func @transform_9(%arg0: i32, %arg1: i32) -> (i32, i32) {
    %c0_i32 = arith.constant 0 : i32
    %c0_i32_0 = arith.constant 0 : i32
    %c0_i32_1 = arith.constant 0 : i32
    return %c0_i32, %c0_i32_0 : i32, i32
  }
  func.func @transform_10(%arg0: i32, %arg1: i32) -> (i32, i32) {
    %c0_i32 = arith.constant 0 : i32
    %c0_i32_0 = arith.constant 0 : i32
    %c0_i32_1 = arith.constant 0 : i32
    return %c0_i32, %c0_i32_0 : i32, i32
  }
  func.func @transform_11(%arg0: i32, %arg1: i32) -> (i32, i32, i32) {
    %c0_i32 = arith.constant 0 : i32
    %c0_i32_0 = arith.constant 0 : i32
    return %arg0, %arg1, %c0_i32 : i32, i32, i32
  }
  func.func @transform_12(%arg0: i32, %arg1: i32) -> (i32, i32, i32) {
    %c0_i32 = arith.constant 0 : i32
    %c0_i32_0 = arith.constant 0 : i32
    return %arg0, %c0_i32, %arg1 : i32, i32, i32
  }
  func.func @transform_13(%arg0: i32, %arg1: i32) -> (i32, i32, i32) {
    %c0_i32 = arith.constant 0 : i32
    %c0_i32_0 = arith.constant 0 : i32
    return %arg0, %c0_i32, %arg1 : i32, i32, i32
  }
  func.func @transform_14(%arg0: i32, %arg1: i32) -> (i32, i32, i32) {
    %c0_i32 = arith.constant 0 : i32
    %c0_i32_0 = arith.constant 0 : i32
    return %arg0, %arg1, %c0_i32 : i32, i32, i32
  }
  func.func @transform_15(%arg0: i32, %arg1: i32) -> (i32, i32) {
    %c0_i32 = arith.constant 0 : i32
    %c0_i32_0 = arith.constant 0 : i32
    %c0_i32_1 = arith.constant 0 : i32
    return %c0_i32, %c0_i32_0 : i32, i32
  }
}

module attributes {stable_mosaic.version = 14 : i64} {
  func.func @_pass_f_body(%arg0: i32, %arg1: i32, %arg2: memref<1x128x1024xf32, #tpu.memory_space<vmem>>, %arg3: memref<129x128xf32, #tpu.memory_space<vmem>>, %arg4: memref<128x128xf32, #tpu.memory_space<vmem>>, %arg5: memref<128x1xf32, #tpu.memory_space<vmem>>, %arg6: memref<128x1xf32, #tpu.memory_space<vmem>>, %arg7: memref<128x1xf32, #tpu.memory_space<vmem>>, %arg8: memref<128x128xf32, #tpu.memory_space<vmem>>, %arg9: memref<128x1xf32, #tpu.memory_space<vmem>>, %arg10: memref<128x1xf32, #tpu.memory_space<vmem>>, %arg11: memref<128x1xf32, #tpu.memory_space<vmem>>, %arg12: memref<8x128xf32, #tpu.memory_space<vmem>>, %arg13: memref<1x1xf32, #tpu.memory_space<vmem>>, %arg14: memref<1x1x1024xf32, #tpu.memory_space<vmem>>, %arg15: memref<128x128xf32, #tpu.memory_space<vmem>>, %arg16: memref<128x1xf32, #tpu.memory_space<vmem>>) attributes {dimension_semantics = [#tpu.dimension_semantics<arbitrary>, #tpu.dimension_semantics<arbitrary>], iteration_bounds = array<i64: 2, 4>, scalar_prefetch = 0 : i64, scratch_operands = 2 : i64, tpu.core_type = #tpu.core_type<tc>, window_params = [{transform_indices = @transform_0, window_bounds = array<i64: 1, 128, 1024>}, {pipeline_mode = #tpu.pipeline_mode<synchronous>, transform_indices = @transform_1, window_bounds = array<i64: 129, 128>}, {pipeline_mode = #tpu.pipeline_mode<synchronous>, transform_indices = @transform_2, window_bounds = array<i64: 128, 128>}, {pipeline_mode = #tpu.pipeline_mode<synchronous>, transform_indices = @transform_3, window_bounds = array<i64: 128, 1>}, {pipeline_mode = #tpu.pipeline_mode<synchronous>, transform_indices = @transform_4, window_bounds = array<i64: 128, 1>}, {pipeline_mode = #tpu.pipeline_mode<synchronous>, transform_indices = @transform_5, window_bounds = array<i64: 128, 1>}, {pipeline_mode = #tpu.pipeline_mode<synchronous>, transform_indices = @transform_6, window_bounds = array<i64: 128, 128>}, {pipeline_mode = #tpu.pipeline_mode<synchronous>, transform_indices = @transform_7, window_bounds = array<i64: 128, 1>}, {pipeline_mode = #tpu.pipeline_mode<synchronous>, transform_indices = @transform_8, window_bounds = array<i64: 128, 1>}, {pipeline_mode = #tpu.pipeline_mode<synchronous>, transform_indices = @transform_9, window_bounds = array<i64: 128, 1>}, {pipeline_mode = #tpu.pipeline_mode<synchronous>, transform_indices = @transform_10, window_bounds = array<i64: 8, 128>}, {pipeline_mode = #tpu.pipeline_mode<synchronous>, transform_indices = @transform_11, window_bounds = array<i64: 1, 1>}, {transform_indices = @transform_12, window_bounds = array<i64: 1, 1, 1024>}]} {
    %eq3A = arith.constant 0 : i32
    %eq3A_0 = arith.cmpi eq, %arg0, %eq3A : i32
    %eq3A_1 = arith.constant 0 : i32
    %eq3A_2 = arith.cmpi eq, %arg1, %eq3A_1 : i32
    %and3A = arith.andi %eq3A_0, %eq3A_2 : i1
    %convert_element_type3A = arith.extui %and3A : i1 to i32
    %cond3A = arith.constant 0 : i32
    %cond3A_3 = arith.cmpi ne, %convert_element_type3A, %cond3A : i32
    scf.if %cond3A_3 {
      %broadcast_in_dim3A_66 = arith.constant 0.000000e+00 : f32
      %broadcast_in_dim3A_67 = vector.broadcast %broadcast_in_dim3A_66 : f32 to vector<128x128xf32>
      %swap3A = arith.constant 0 : index
      %swap3A_68 = arith.constant 0 : index
      %swap3A_69 = vector.load %arg15[%swap3A, %swap3A_68] : memref<128x128xf32, #tpu.memory_space<vmem>>, vector<128x128xf32>
      tpu.vector_store %arg15[%swap3A, %swap3A_68], %broadcast_in_dim3A_67 {strides = array<i32>} : memref<128x128xf32, #tpu.memory_space<vmem>>, vector<128x128xf32>,
      %broadcast_in_dim3A_70 = arith.constant 0.000000e+00 : f32
      %broadcast_in_dim3A_71 = vector.broadcast %broadcast_in_dim3A_70 : f32 to vector<128x1xf32>
      %swap3A_72 = arith.constant 0 : index
      %swap3A_73 = arith.constant 0 : index
      %swap3A_74 = vector.load %arg16[%swap3A_72, %swap3A_73] : memref<128x1xf32, #tpu.memory_space<vmem>>, vector<128x1xf32>
      tpu.vector_store %arg16[%swap3A_72, %swap3A_73], %broadcast_in_dim3A_71 {strides = array<i32>} : memref<128x1xf32, #tpu.memory_space<vmem>>, vector<128x1xf32>,
    } else {
    }
    %get3A = arith.constant 0 : index
    %get3A_4 = arith.constant 0 : index
    %get3A_5 = vector.load %arg4[%get3A, %get3A_4] : memref<128x128xf32, #tpu.memory_space<vmem>>, vector<128x128xf32>
    %get3A_6 = arith.constant 0 : index
    %get3A_7 = arith.constant 0 : index
    %get3A_8 = vector.load %arg3[%get3A_6, %get3A_7] : memref<129x128xf32, #tpu.memory_space<vmem>>, vector<129x128xf32>
    %get3A_9 = arith.constant 0 : index
    %get3A_10 = arith.constant 0 : index
    %get3A_11 = vector.load %arg6[%get3A_9, %get3A_10] : memref<128x1xf32, #tpu.memory_space<vmem>>, vector<128x1xf32>
    %get3A_12 = arith.constant 0 : index
    %get3A_13 = arith.constant 0 : index
    %get3A_14 = vector.load %arg7[%get3A_12, %get3A_13] : memref<128x1xf32, #tpu.memory_space<vmem>>, vector<128x1xf32>
    %slice3A = vector.extract_strided_slice %get3A_8 {offsets = [128, 0], sizes = [1, 128], strides = [1, 1]} : vector<129x128xf32> to vector<1x128xf32>
    %div3A = arith.constant 4.096000e+03 : f32
    %div3A_15 = vector.broadcast %div3A : f32 to vector<1x128xf32>
    %div3A_16 = arith.divf %slice3A, %div3A_15 : vector<1x128xf32>
    %slice3A_17 = vector.extract_strided_slice %get3A_8 {offsets = [0, 0], sizes = [128, 128], strides = [1, 1]} : vector<129x128xf32> to vector<128x128xf32>
    %div3A_18 = arith.constant 4.096000e+03 : f32
    %div3A_19 = vector.broadcast %div3A_18 : f32 to vector<128x128xf32>
    %div3A_20 = arith.divf %slice3A_17, %div3A_19 : vector<128x128xf32>
    %dot_general3A = arith.constant dense<0.000000e+00> : vector<128x128xf32>
    %dot_general3A_21 = tpu.matmul %div3A_16, %div3A_16, %dot_general3A {dimension_numbers = #tpu.dot_dimension_numbers<[0], [0], [1], [1], [0, 1, 1, 1], [], []>, transpose_lhs_hint = false} : vector<1x128xf32>, vector<1x128xf32>, vector<128x128xf32> -> vector<128x128xf32>
    %sub3A = arith.subf %div3A_20, %dot_general3A_21 : vector<128x128xf32>
    %dot_general3A_22 = arith.constant dense<0.000000e+00> : vector<128x128xf32>
    %dot_general3A_23 = tpu.matmul %get3A_5, %sub3A, %dot_general3A_22 {dimension_numbers = #tpu.dot_dimension_numbers<[1], [0], [0], [1], [0, 0, 1, 1], [], []>, transpose_lhs_hint = false} : vector<128x128xf32>, vector<128x128xf32>, vector<128x128xf32> -> vector<128x128xf32>
    %mul3A = arith.mulf %dot_general3A_23, %get3A_5 : vector<128x128xf32>
    %reduce_sum3A = arith.constant dense<0.000000e+00> : vector<128xf32>
    %reduce_sum3A_24 = vector.multi_reduction <add>, %mul3A, %reduce_sum3A [1] : vector<128x128xf32> to vector<128xf32>
    %broadcast_in_dim3A = vector.shape_cast %reduce_sum3A_24 : vector<128xf32> to vector<128x1xf32>
    %dot_general3A_25 = arith.constant dense<0.000000e+00> : vector<128x1xf32>
    %dot_general3A_26 = tpu.matmul %get3A_5, %div3A_16, %dot_general3A_25 {dimension_numbers = #tpu.dot_dimension_numbers<[1], [1], [0], [0], [0, 0, 1, 0], [], []>, transpose_lhs_hint = false} : vector<128x128xf32>, vector<1x128xf32>, vector<128x1xf32> -> vector<128x1xf32>
    %add3A = arith.constant 9.99999974E-6 : f32
    %add3A_27 = vector.broadcast %add3A : f32 to vector<128x1xf32>
    %add3A_28 = arith.addf %broadcast_in_dim3A, %add3A_27 : vector<128x1xf32>
    %rsqrt3A = math.rsqrt %add3A_28 : vector<128x1xf32>
    %mul3A_29 = arith.mulf %get3A_11, %rsqrt3A : vector<128x1xf32>
    %mul3A_30 = arith.mulf %dot_general3A_26, %mul3A_29 : vector<128x1xf32>
    %sub3A_31 = arith.subf %get3A_14, %mul3A_30 : vector<128x1xf32>
    %get3A_32 = arith.constant 0 : index
    %get3A_33 = arith.constant 0 : index
    %get3A_34 = arith.constant 0 : index
    %get3A_35 = vector.load %arg2[%get3A_32, %get3A_33, %get3A_34] : memref<1x128x1024xf32, #tpu.memory_space<vmem>>, vector<1x128x1024xf32>
    %get3A_36 = vector.shape_cast %get3A_35 : vector<1x128x1024xf32> to vector<128x1024xf32>
    %dot_general3A_37 = arith.constant dense<0.000000e+00> : vector<128x1024xf32>
    %dot_general3A_38 = tpu.matmul %get3A_5, %get3A_36, %dot_general3A_37 {dimension_numbers = #tpu.dot_dimension_numbers<[1], [0], [0], [1], [0, 0, 1, 1], [], []>, transpose_lhs_hint = false} : vector<128x128xf32>, vector<128x1024xf32>, vector<128x1024xf32> -> vector<128x1024xf32>
    %get3A_39 = arith.constant 0 : index
    %get3A_40 = arith.constant 0 : index
    %get3A_41 = vector.load %arg5[%get3A_39, %get3A_40] : memref<128x1xf32, #tpu.memory_space<vmem>>, vector<128x1xf32>
    %add3A_42 = vector.broadcast %get3A_41 : vector<128x1xf32> to vector<128x1024xf32>
    %add3A_43 = arith.addf %dot_general3A_38, %add3A_42 : vector<128x1024xf32>
    %get3A_44 = arith.constant 0 : index
    %get3A_45 = arith.constant 0 : index
    %get3A_46 = vector.load %arg5[%get3A_44, %get3A_45] : memref<128x1xf32, #tpu.memory_space<vmem>>, vector<128x1xf32>
    %mul3A_47 = arith.mulf %get3A_46, %mul3A_29 : vector<128x1xf32>
    %mul3A_48 = vector.broadcast %mul3A_29 : vector<128x1xf32> to vector<128x1024xf32>
    %mul3A_49 = arith.mulf %add3A_43, %mul3A_48 : vector<128x1024xf32>
    %add3A_50 = vector.broadcast %sub3A_31 : vector<128x1xf32> to vector<128x1024xf32>
    %add3A_51 = arith.addf %mul3A_49, %add3A_50 : vector<128x1024xf32>
    %sub3A_52 = vector.broadcast %mul3A_47 : vector<128x1xf32> to vector<128x1024xf32>
    %sub3A_53 = arith.subf %add3A_51, %sub3A_52 : vector<128x1024xf32>
    %max3A = arith.constant 0.000000e+00 : f32
    %max3A_54 = vector.broadcast %max3A : f32 to vector<128x1024xf32>
    %max3A_55 = arith.maximumf %sub3A_53, %max3A_54 : vector<128x1024xf32>
    %eq3A_56 = arith.constant 0 : i32
    %eq3A_57 = arith.cmpi eq, %arg0, %eq3A_56 : i32
    %convert_element_type3A_58 = arith.extui %eq3A_57 : i1 to i32
    %cond3A_59 = arith.constant 0 : i32
    %cond3A_60 = arith.cmpi ne, %convert_element_type3A_58, %cond3A_59 : i32
    scf.if %cond3A_60 {
      %get3A_66 = arith.constant 0 : index
      %get3A_67 = arith.constant 0 : index
      %get3A_68 = vector.load %arg15[%get3A_66, %get3A_67] : memref<128x128xf32, #tpu.memory_space<vmem>>, vector<128x128xf32>
      %dot_general3A_69 = arith.constant dense<0.000000e+00> : vector<128x128xf32>
      %dot_general3A_70 = tpu.matmul %max3A_55, %max3A_55, %dot_general3A_69 {dimension_numbers = #tpu.dot_dimension_numbers<[1], [1], [0], [0], [0, 0, 1, 0], [], []>, transpose_lhs_hint = false} : vector<128x1024xf32>, vector<128x1024xf32>, vector<128x128xf32> -> vector<128x128xf32>
      %add3A_71 = arith.addf %get3A_68, %dot_general3A_70 : vector<128x128xf32>
      %swap3A = arith.constant 0 : index
      %swap3A_72 = arith.constant 0 : index
      %swap3A_73 = vector.load %arg15[%swap3A, %swap3A_72] : memref<128x128xf32, #tpu.memory_space<vmem>>, vector<128x128xf32>
      tpu.vector_store %arg15[%swap3A, %swap3A_72], %add3A_71 {strides = array<i32>} : memref<128x128xf32, #tpu.memory_space<vmem>>, vector<128x128xf32>,
      %get3A_74 = arith.constant 0 : index
      %get3A_75 = arith.constant 0 : index
      %get3A_76 = vector.load %arg16[%get3A_74, %get3A_75] : memref<128x1xf32, #tpu.memory_space<vmem>>, vector<128x1xf32>
      %reduce_sum3A_77 = arith.constant dense<0.000000e+00> : vector<128xf32>
      %reduce_sum3A_78 = vector.multi_reduction <add>, %max3A_55, %reduce_sum3A_77 [1] : vector<128x1024xf32> to vector<128xf32>
      %broadcast_in_dim3A_79 = vector.shape_cast %reduce_sum3A_78 : vector<128xf32> to vector<128x1xf32>
      %add3A_80 = arith.addf %get3A_76, %broadcast_in_dim3A_79 : vector<128x1xf32>
      %swap3A_81 = arith.constant 0 : index
      %swap3A_82 = arith.constant 0 : index
      %swap3A_83 = vector.load %arg16[%swap3A_81, %swap3A_82] : memref<128x1xf32, #tpu.memory_space<vmem>>, vector<128x1xf32>
      tpu.vector_store %arg16[%swap3A_81, %swap3A_82], %add3A_80 {strides = array<i32>} : memref<128x1xf32, #tpu.memory_space<vmem>>, vector<128x1xf32>,
    } else {
    }
    %eq3A_61 = arith.constant 1 : i32
    %eq3A_62 = arith.cmpi eq, %arg0, %eq3A_61 : i32
    %convert_element_type3A_63 = arith.extui %eq3A_62 : i1 to i32
    %cond3A_64 = arith.constant 0 : i32
    %cond3A_65 = arith.cmpi ne, %convert_element_type3A_63, %cond3A_64 : i32
    scf.if %cond3A_65 {
      %get3A_66 = arith.constant 0 : index
      %get3A_67 = arith.constant 0 : index
      %get3A_68 = vector.load %arg16[%get3A_66, %get3A_67] : memref<128x1xf32, #tpu.memory_space<vmem>>, vector<128x1xf32>
      %div3A_69 = arith.constant 4.096000e+03 : f32
      %div3A_70 = vector.broadcast %div3A_69 : f32 to vector<128x1xf32>
      %div3A_71 = arith.divf %get3A_68, %div3A_70 : vector<128x1xf32>
      %get3A_72 = arith.constant 0 : index
      %get3A_73 = arith.constant 0 : index
      %get3A_74 = vector.load %arg15[%get3A_72, %get3A_73] : memref<128x128xf32, #tpu.memory_space<vmem>>, vector<128x128xf32>
      %div3A_75 = arith.constant 4.096000e+03 : f32
      %div3A_76 = vector.broadcast %div3A_75 : f32 to vector<128x128xf32>
      %div3A_77 = arith.divf %get3A_74, %div3A_76 : vector<128x128xf32>
      %dot_general3A_78 = arith.constant dense<0.000000e+00> : vector<128x128xf32>
      %dot_general3A_79 = tpu.matmul %div3A_71, %div3A_71, %dot_general3A_78 {dimension_numbers = #tpu.dot_dimension_numbers<[1], [1], [0], [0], [0, 0, 1, 0], [], []>, transpose_lhs_hint = false} : vector<128x1xf32>, vector<128x1xf32>, vector<128x128xf32> -> vector<128x128xf32>
      %sub3A_80 = arith.subf %div3A_77, %dot_general3A_79 : vector<128x128xf32>
      %get3A_81 = arith.constant 0 : index
      %get3A_82 = arith.constant 0 : index
      %get3A_83 = vector.load %arg8[%get3A_81, %get3A_82] : memref<128x128xf32, #tpu.memory_space<vmem>>, vector<128x128xf32>
      %dot_general3A_84 = arith.constant dense<0.000000e+00> : vector<128x128xf32>
      %dot_general3A_85 = tpu.matmul %get3A_83, %sub3A_80, %dot_general3A_84 {dimension_numbers = #tpu.dot_dimension_numbers<[1], [0], [0], [1], [0, 0, 1, 1], [], []>, transpose_lhs_hint = false} : vector<128x128xf32>, vector<128x128xf32>, vector<128x128xf32> -> vector<128x128xf32>
      %mul3A_86 = arith.mulf %dot_general3A_85, %get3A_83 : vector<128x128xf32>
      %reduce_sum3A_87 = arith.constant dense<0.000000e+00> : vector<128xf32>
      %reduce_sum3A_88 = vector.multi_reduction <add>, %mul3A_86, %reduce_sum3A_87 [1] : vector<128x128xf32> to vector<128xf32>
      %broadcast_in_dim3A_89 = vector.shape_cast %reduce_sum3A_88 : vector<128xf32> to vector<128x1xf32>
      %dot_general3A_90 = arith.constant dense<0.000000e+00> : vector<128x1xf32>
      %dot_general3A_91 = tpu.matmul %get3A_83, %div3A_71, %dot_general3A_90 {dimension_numbers = #tpu.dot_dimension_numbers<[1], [0], [0], [1], [0, 0, 1, 1], [], []>, transpose_lhs_hint = false} : vector<128x128xf32>, vector<128x1xf32>, vector<128x1xf32> -> vector<128x1xf32>
      %get3A_92 = arith.constant 0 : index
      %get3A_93 = arith.constant 0 : index
      %get3A_94 = vector.load %arg9[%get3A_92, %get3A_93] : memref<128x1xf32, #tpu.memory_space<vmem>>, vector<128x1xf32>
      %add3A_95 = arith.addf %dot_general3A_91, %get3A_94 : vector<128x1xf32>
      %get3A_96 = arith.constant 0 : index
      %get3A_97 = arith.constant 0 : index
      %get3A_98 = vector.load %arg10[%get3A_96, %get3A_97] : memref<128x1xf32, #tpu.memory_space<vmem>>, vector<128x1xf32>
      %add3A_99 = arith.constant 9.99999974E-6 : f32
      %add3A_100 = vector.broadcast %add3A_99 : f32 to vector<128x1xf32>
      %add3A_101 = arith.addf %broadcast_in_dim3A_89, %add3A_100 : vector<128x1xf32>
      %rsqrt3A_102 = math.rsqrt %add3A_101 : vector<128x1xf32>
      %mul3A_103 = arith.mulf %get3A_98, %rsqrt3A_102 : vector<128x1xf32>
      %get3A_104 = arith.constant 0 : index
      %get3A_105 = arith.constant 0 : index
      %get3A_106 = vector.load %arg11[%get3A_104, %get3A_105] : memref<128x1xf32, #tpu.memory_space<vmem>>, vector<128x1xf32>
      %mul3A_107 = arith.mulf %add3A_95, %mul3A_103 : vector<128x1xf32>
      %sub3A_108 = arith.subf %get3A_106, %mul3A_107 : vector<128x1xf32>
      %dot_general3A_109 = arith.constant dense<0.000000e+00> : vector<128x1024xf32>
      %dot_general3A_110 = tpu.matmul %get3A_83, %max3A_55, %dot_general3A_109 {dimension_numbers = #tpu.dot_dimension_numbers<[1], [0], [0], [1], [0, 0, 1, 1], [], []>, transpose_lhs_hint = false} : vector<128x128xf32>, vector<128x1024xf32>, vector<128x1024xf32> -> vector<128x1024xf32>
      %get3A_111 = arith.constant 0 : index
      %get3A_112 = arith.constant 0 : index
      %get3A_113 = vector.load %arg9[%get3A_111, %get3A_112] : memref<128x1xf32, #tpu.memory_space<vmem>>, vector<128x1xf32>
      %add3A_114 = vector.broadcast %get3A_113 : vector<128x1xf32> to vector<128x1024xf32>
      %add3A_115 = arith.addf %dot_general3A_110, %add3A_114 : vector<128x1024xf32>
      %mul3A_116 = vector.broadcast %mul3A_103 : vector<128x1xf32> to vector<128x1024xf32>
      %mul3A_117 = arith.mulf %add3A_115, %mul3A_116 : vector<128x1024xf32>
      %add3A_118 = vector.broadcast %sub3A_108 : vector<128x1xf32> to vector<128x1024xf32>
      %add3A_119 = arith.addf %mul3A_117, %add3A_118 : vector<128x1024xf32>
      %max3A_120 = arith.constant 0.000000e+00 : f32
      %max3A_121 = vector.broadcast %max3A_120 : f32 to vector<128x1024xf32>
      %max3A_122 = arith.maximumf %add3A_119, %max3A_121 : vector<128x1024xf32>
      %get3A_123 = arith.constant 0 : index
      %get3A_124 = arith.constant 0 : index
      %get3A_125 = vector.load %arg12[%get3A_123, %get3A_124] : memref<8x128xf32, #tpu.memory_space<vmem>>, vector<8x128xf32>
      %dot_general3A_126 = arith.constant dense<0.000000e+00> : vector<8x1024xf32>
      %dot_general3A_127 = tpu.matmul %get3A_125, %max3A_122, %dot_general3A_126 {dimension_numbers = #tpu.dot_dimension_numbers<[1], [0], [0], [1], [0, 0, 1, 1], [], []>, transpose_lhs_hint = false} : vector<8x128xf32>, vector<128x1024xf32>, vector<8x1024xf32> -> vector<8x1024xf32>
      %slice3A_128 = vector.extract_strided_slice %dot_general3A_127 {offsets = [0, 0], sizes = [1, 1024], strides = [1, 1]} : vector<8x1024xf32> to vector<1x1024xf32>
      %get3A_129 = arith.constant 0 : index
      %get3A_130 = arith.constant 0 : index
      %get3A_131 = vector.load %arg13[%get3A_129, %get3A_130] : memref<1x1xf32, #tpu.memory_space<vmem>>, vector<1x1xf32>
      %add3A_132 = vector.broadcast %get3A_131 : vector<1x1xf32> to vector<1x1024xf32>
      %add3A_133 = arith.addf %slice3A_128, %add3A_132 : vector<1x1024xf32>
      %gt3A = arith.constant 2.000000e+01 : f32
      %gt3A_134 = vector.broadcast %gt3A : f32 to vector<1x1024xf32>
      %gt3A_135 = arith.cmpf ogt, %add3A_133, %gt3A_134 : vector<1x1024xf32>
      %min3A = arith.constant 2.000000e+01 : f32
      %min3A_136 = vector.broadcast %min3A : f32 to vector<1x1024xf32>
      %min3A_137 = arith.minimumf %add3A_133, %min3A_136 : vector<1x1024xf32>
      %exp3A = math.exp %min3A_137 : vector<1x1024xf32>
      %add3A_138 = arith.constant 1.000000e+00 : f32
      %add3A_139 = vector.broadcast %add3A_138 : f32 to vector<1x1024xf32>
      %add3A_140 = arith.addf %add3A_139, %exp3A : vector<1x1024xf32>
      %log3A = math.log %add3A_140 : vector<1x1024xf32>
      %select_n3A = arith.select %gt3A_135, %add3A_133, %log3A : vector<1x1024xi1>, vector<1x1024xf32>
      %add3A_141 = arith.constant 1.000000e-03 : f32
      %add3A_142 = vector.broadcast %add3A_141 : f32 to vector<1x1024xf32>
      %add3A_143 = arith.addf %select_n3A, %add3A_142 : vector<1x1024xf32>
      %swap3A = arith.constant 0 : index
      %swap3A_144 = arith.constant 0 : index
      %swap3A_145 = arith.constant 0 : index
      %swap3A_146 = vector.load %arg14[%swap3A, %swap3A_144, %swap3A_145] : memref<1x1x1024xf32, #tpu.memory_space<vmem>>, vector<1x1x1024xf32>
      %swap3A_147 = vector.shape_cast %swap3A_146 : vector<1x1x1024xf32> to vector<1x1024xf32>
      %swap3A_148 = vector.shape_cast %add3A_143 : vector<1x1024xf32> to vector<1x1x1024xf32>
      tpu.vector_store %arg14[%swap3A, %swap3A_144, %swap3A_145], %swap3A_148 {strides = array<i32>} : memref<1x1x1024xf32, #tpu.memory_space<vmem>>, vector<1x1x1024xf32>,
    } else {
    }
    return
  }
  func.func @transform_0(%arg0: i32, %arg1: i32) -> (i32, i32, i32) {
    %c0_i32 = arith.constant 0 : i32
    %c0_i32_0 = arith.constant 0 : i32
    %c0_i32_1 = arith.constant 0 : i32
    return %arg1, %c0_i32, %c0_i32_0 : i32, i32, i32
  }
  func.func @transform_1(%arg0: i32, %arg1: i32) -> (i32, i32) {
    %c0_i32 = arith.constant 0 : i32
    %c0_i32_0 = arith.constant 0 : i32
    %c0_i32_1 = arith.constant 0 : i32
    return %c0_i32, %c0_i32_0 : i32, i32
  }
  func.func @transform_2(%arg0: i32, %arg1: i32) -> (i32, i32) {
    %c0_i32 = arith.constant 0 : i32
    %c0_i32_0 = arith.constant 0 : i32
    %c0_i32_1 = arith.constant 0 : i32
    return %c0_i32, %c0_i32_0 : i32, i32
  }
  func.func @transform_3(%arg0: i32, %arg1: i32) -> (i32, i32) {
    %c0_i32 = arith.constant 0 : i32
    %c0_i32_0 = arith.constant 0 : i32
    %c0_i32_1 = arith.constant 0 : i32
    return %c0_i32, %c0_i32_0 : i32, i32
  }
  func.func @transform_4(%arg0: i32, %arg1: i32) -> (i32, i32) {
    %c0_i32 = arith.constant 0 : i32
    %c0_i32_0 = arith.constant 0 : i32
    %c0_i32_1 = arith.constant 0 : i32
    return %c0_i32, %c0_i32_0 : i32, i32
  }
  func.func @transform_5(%arg0: i32, %arg1: i32) -> (i32, i32) {
    %c0_i32 = arith.constant 0 : i32
    %c0_i32_0 = arith.constant 0 : i32
    %c0_i32_1 = arith.constant 0 : i32
    return %c0_i32, %c0_i32_0 : i32, i32
  }
  func.func @transform_6(%arg0: i32, %arg1: i32) -> (i32, i32) {
    %c0_i32 = arith.constant 0 : i32
    %c0_i32_0 = arith.constant 0 : i32
    %c0_i32_1 = arith.constant 0 : i32
    return %c0_i32, %c0_i32_0 : i32, i32
  }
  func.func @transform_7(%arg0: i32, %arg1: i32) -> (i32, i32) {
    %c0_i32 = arith.constant 0 : i32
    %c0_i32_0 = arith.constant 0 : i32
    %c0_i32_1 = arith.constant 0 : i32
    return %c0_i32, %c0_i32_0 : i32, i32
  }
  func.func @transform_8(%arg0: i32, %arg1: i32) -> (i32, i32) {
    %c0_i32 = arith.constant 0 : i32
    %c0_i32_0 = arith.constant 0 : i32
    %c0_i32_1 = arith.constant 0 : i32
    return %c0_i32, %c0_i32_0 : i32, i32
  }
  func.func @transform_9(%arg0: i32, %arg1: i32) -> (i32, i32) {
    %c0_i32 = arith.constant 0 : i32
    %c0_i32_0 = arith.constant 0 : i32
    %c0_i32_1 = arith.constant 0 : i32
    return %c0_i32, %c0_i32_0 : i32, i32
  }
  func.func @transform_10(%arg0: i32, %arg1: i32) -> (i32, i32) {
    %c0_i32 = arith.constant 0 : i32
    %c0_i32_0 = arith.constant 0 : i32
    %c0_i32_1 = arith.constant 0 : i32
    return %c0_i32, %c0_i32_0 : i32, i32
  }
  func.func @transform_11(%arg0: i32, %arg1: i32) -> (i32, i32) {
    %c0_i32 = arith.constant 0 : i32
    %c0_i32_0 = arith.constant 0 : i32
    %c0_i32_1 = arith.constant 0 : i32
    return %c0_i32, %c0_i32_0 : i32, i32
  }
  func.func @transform_12(%arg0: i32, %arg1: i32) -> (i32, i32, i32) {
    %c0_i32 = arith.constant 0 : i32
    %c0_i32_0 = arith.constant 0 : i32
    %c0_i32_1 = arith.constant 0 : i32
    return %arg1, %c0_i32, %c0_i32_0 : i32, i32, i32
  }
}

</mosaic_0001>

<sc_bundles>
// kernel: kernel.12.cloned.1.call-start
scs
__scs_entry_jumppad:
0x0: {  	(pc) =	sbr.rel $0x88, $3  }
0x1: {  	(tag) =	ssettag $0x0;
	lr =	simm.s32 $0x1  }
0x2: {  	[smem:$0x3F8E] =	sst lr;
	_ =	strace $0xD0000000  }
0x3: {  	_ = 	snop  }
0x4: {  	_ = 	snop  }
0x5: {  	_ = 	snop  }
0x6: {  	_ = 	snop  }
0x7: {  	_ = 	snop  }
__scs_overlays_trampoline_lowered:
0x8: {  	[smem:$0x3F9D] =	sst s0  }
0x9: {  	[smem:$0x3F9E] =	sst s1  }
0xa: {  	[smem:$0x3F9F] =	sst s2  }
0xb: {  	[smem:$0x3FA0] =	sst s3  }
0xc: {  	[smem:$0x3FA1] =	sst s4  }
0xd: {  	[smem:$0x3FA2] =	sst s5  }
0xe: {  	[smem:$0x3FA3] =	sst s6  }
0xf: {  	[smem:$0x3FA4] =	sst s7  }
0x10: {  	[smem:$0x3FA5] =	sst s8  }
0x11: {  	[smem:$0x3FA6] =	sst s9;
	s0 =	simm.s32 @!p0 $0x0  }
0x12: {  	s1 =	sld [smem:$0x3F8C];
	s0 =	simm.s32 @p0 $0x1  }
0x13: {  	[smem:$0x3FA7] =	sst s0;
	s0 =	simm.s32 @!p1 $0x0  }
0x14: {  	s2 =	sld [smem:$0x3F8B];
	s0 =	simm.s32 @p1 $0x1  }
0x15: {  	[smem:$0x3FA8] =	sst s0;
	s0 =	simm.s32 @!p2 $0x0  }
0x16: {  	s3 =	sld [smem:$0x3FDB];
	s0 =	simm.s32 @p2 $0x1  }
0x17: {  	s4 =	simm.s32 $0x1BF5;
	[smem:$0x3FAA] =	sst s0  }
0x18: {  	s0 =	sld [smem:$0x3F8D];
	_ =	swait.ge [sflag:s4], $0x0  }
0x19: {  	s7 =	sld [smem:$0x3F8E]  }
0x1a: {  	s8 =	sadd.s32 $0xFFFFE003, lr  }
0x1b: {  	s9 =	sadd.s32 $0xFFFFFEF7, lr;
	s5 =	simm.s32 $0xFFFFFFFF;
	p2 =	slt.u32 s8, $0xFFFFF086  }
0x1c: {  	p1 =	slt.u32 s9, $0xF7A;
	s5 =	simm.s32 @!p2 $0x0  }
0x1d: {  	s5 =	simm.s32 @p1 $0x1;
	p0 =	seq.s32 s7, s2  }
0x1e: {  	s7 =	smul.u32 @!p0 $0xF7A, s2;
	p2 =	seq.s32 @!p0 s5, $0x0  }
0x1f: {  	s9 =	smul.u32 $0xF7A, s1;
	s8 =	simm.s32 @!p0 $0x1BF5;
	p2 =	por !p2, p0  }
0x20: {  	[sflag:s8] =	ssyncset.s32 @!p0 $0xFFFFF086;
	s6 =	sadd.s32 @!p0 s3, s7;
	s7 =	simm.s32 @!p0 $0x108  }
0x21: {  	s3 =	sadd.s32 s3, s9;
	s6 =	sadd.s32 @!p0 $0x88, s6;
	s7 =	simm.s32 @p2 $0x1082  }
0x22: {  	[simem:s7], [sflag:s8] =	dma.local @!p0 [hbm:s6], $0xF7A  }
0x23: {  	s9 =	sor.u32 $0xD0000000, s2;
	s6 =	simm.s32 $0x108;
	_ =	swait.ge @!p0 [sflag:s8], $0x0  }
0x24: {  	s3 =	sadd.s32 $0x88, s3;
	s6 =	simm.s32 @!p1 $0x1082;
	[sflag:s4] =	ssyncset.s32 $0xFFFFF086  }
0x25: {  	[simem:s6], [sflag:s4] =	dma.local [hbm:s3], $0xF7A  }
0x26: {  	[smem:$0x3F8E] =	sst s1;
	(tag) =	ssettag s2;
	_ =	strace s9  }
0x27: {  	s1 =	sld [smem:$0x3F9E]  }
0x28: {  	s2 =	sld [smem:$0x3F9F]  }
0x29: {  	s4 =	sld [smem:$0x3FA1]  }
0x2a: {  	p0 =	seq.s32 s5, $0x0;
	s5 =	sld [smem:$0x3FA2]  }
0x2b: {  	s6 =	sld [smem:$0x3FA3]  }
0x2c: {  	s7 =	sld [smem:$0x3FA4]  }
0x2d: {  	s3 =	simm.s32 $0x108;
	s8 =	sld [smem:$0x3FA5]  }
0x2e: {  	s3 =	simm.s32 @!p0 $0x1082;
	s9 =	sld [smem:$0x3FA6]  }
0x2f: {  	lr =	sadd.s32 s0, s3;
	s0 =	sld [smem:$0x3F9D]  }
0x30: {  	s3 =	sld [smem:$0x3FA0]  }
0x31: {  	[smem:$0x3FA9] =	sst s10  }
0x32: {  	s10 =	sld [smem:$0x3FA7];
	_ =	sdelay $0x3  }
0x33: {  	p0 =	seq.s32 s10, $0x1;
	s10 =	sld [smem:$0x3FA9];
	_ =	sdelay $0x3  }
0x34: {  	[smem:$0x3FA9] =	sst s10  }
0x35: {  	s10 =	sld [smem:$0x3FA8];
	_ =	sdelay $0x3  }
0x36: {  	p1 =	seq.s32 s10, $0x1;
	s10 =	sld [smem:$0x3FA9];
	_ =	sdelay $0x3  }
0x37: {  	[smem:$0x3FA9] =	sst s10  }
0x38: {  	s10 =	sld [smem:$0x3FAA]  }
0x39: {  	_ = 	snop;
	(pc) =	sbr.ind lr, $3  }
0x3a: {  	_ = 	snop  }
0x3b: {  	_ = 	snop  }
0x3c: {  	p2 =	seq.s32 s10, $0x1;
	s10 =	sld [smem:$0x3FA9]  }
0x3d: {  	_ =	shalt  }
0x3e: {  	_ =	shalt  }
0x3f: {  	_ =	shalt  }
0x40: {  	_ =	shalt  }
0x41: {  	_ =	shalt  }
0x42: {  	_ =	shalt  }
0x43: {  	_ =	shalt  }
0x44: {  	_ =	shalt  }
0x45: {  	_ =	shalt  }
0x46: {  	_ =	shalt  }
0x47: {  	_ =	shalt  }
0x48: {  	_ =	shalt  }
0x49: {  	_ =	shalt  }
0x4a: {  	_ =	shalt  }
0x4b: {  	_ =	shalt  }
0x4c: {  	_ =	shalt  }
0x4d: {  	_ =	shalt  }
0x4e: {  	_ =	shalt  }
0x4f: {  	_ =	shalt  }
0x50: {  	_ =	shalt  }
0x51: {  	_ =	shalt  }
0x52: {  	_ =	shalt  }
0x53: {  	_ =	shalt  }
0x54: {  	_ =	shalt  }
0x55: {  	_ =	shalt  }
0x56: {  	_ =	shalt  }
0x57: {  	_ =	shalt  }
0x58: {  	_ =	shalt  }
0x59: {  	_ =	shalt  }
0x5a: {  	_ =	shalt  }
0x5b: {  	_ =	shalt  }
0x5c: {  	_ =	shalt  }
0x5d: {  	_ =	shalt  }
0x5e: {  	_ =	shalt  }
0x5f: {  	_ =	shalt  }
0x60: {  	_ =	shalt  }
0x61: {  	_ =	shalt  }
0x62: {  	_ =	shalt  }
0x63: {  	_ =	shalt  }
0x64: {  	_ =	shalt  }
0x65: {  	_ =	shalt  }
0x66: {  	_ =	shalt  }
0x67: {  	_ =	shalt  }
0x68: {  	_ =	shalt  }
0x69: {  	_ =	shalt  }
0x6a: {  	_ =	shalt  }
0x6b: {  	_ =	shalt  }
0x6c: {  	_ =	shalt  }
0x6d: {  	_ =	shalt  }
0x6e: {  	_ =	shalt  }
0x6f: {  	_ =	shalt  }
0x70: {  	_ =	shalt  }
0x71: {  	_ =	shalt  }
0x72: {  	_ =	shalt  }
0x73: {  	_ =	shalt  }
0x74: {  	_ =	shalt  }
0x75: {  	_ =	shalt  }
0x76: {  	_ =	shalt  }
0x77: {  	_ =	shalt  }
0x78: {  	_ =	shalt  }
0x79: {  	_ =	shalt  }
0x7a: {  	_ =	shalt  }
0x7b: {  	_ =	shalt  }
0x7c: {  	_ =	shalt  }
0x7d: {  	_ =	shalt  }
0x7e: {  	_ =	shalt  }
0x7f: {  	_ =	shalt  }
0x80: {  	_ =	shalt  }
0x81: {  	_ =	shalt  }
0x82: {  	_ =	shalt  }
0x83: {  	_ =	shalt  }
0x84: {  	_ =	shalt  }
0x85: {  	_ =	shalt  }
0x86: {  	_ =	shalt  }
0x87: {  	_ =	shalt  }
.Lfunc_end0:
.L_simem_size_0:
called_computation.2_lowered:
.L_overlay_start_0:
0x88: {  	s2 =	sld [smem:$0x3FD9]  }
0x89: {  	s3 =	sld [smem:$0x3FFE];
	_ =	sdelay $0x1  }
0x8a: {  	s1 =	srdreg.scid  }
0x8b: {  	s0 =	sand.u32 $0x1, s1  }
0x8c: {  	s14 =	sshll.u32 s0, $0xA;
	s2 =	sadd.s32 s3, s2  }
0x8d: {  	s2 =	sadd.s32 s2, s14  }
0x8e: {  	[smem:$0x3FB5] =	sst s2  }
0x8f: {  	_ = 	snop  }
0x90: {  	s2 =	sld [smem:$0x3FD0];
	_ =	sdelay $0x2  }
0x91: {  	s15 =	simm.s32 $0xA;
	s4 =	simm.s32 $0x10  }
0x92: {  	[smem:s4], [sflag:s15] =	dma.local [hbm:s2], $0x1  }
0x93: {  	_ =	swait.eq [sflag:s15], $0x1  }
0x94: {  	[sflag:s15] =	ssyncset.done $0x0  }
0x95: {  	s16 =	sld [smem:$0x12];
	[sflag:s15] =	ssyncadd.s32 $0xFFFFFFFF  }
0x96: {  	s17 =	sld [smem:$0x13];
	(tm) =	ssettm $0x1  }
0x97: {  	s18 =	sld [smem:$0x3FFB];
	_ =	sdelay $0x3  }
0x98: {  	_ =	strace s18  }
0x99: {  	s4 =	sld [smem:$0x3FFC];
	_ =	sdelay $0x3  }
0x9a: {  	_ =	strace s4  }
0x9b: {  	s4 =	sld [smem:$0x3FFD];
	_ =	sdelay $0x3  }
0x9c: {  	_ =	strace s4  }
0x9d: {  	_ =	strace $0x8FFFFFFF  }
0x9e: {  	s19 =	sld [smem:$0x3FDB];
	_ =	sdelay $0x1  }
0x9f: {  	s5 =	simm.s32 $_scs_section_size  }
0xa0: {  	s6 =	simm.s32 $_size__tile_overlayer_lowered;
	s7 =	simm.s32 $_tile_overlayer_lowered  }
0xa1: {  	s22 =	simm.s32 $0x1BFF;
	s21 =	sshll.u32 s7, $0x1;
	s4 =	sadd.s32 s5, s19  }
0xa2: {  	s8 =	simm.s32 $0x0;
	s20 =	sshll.u32 s6, $0x1;
	s6 =	sadd.s32 s21, s4  }
0xa3: {  	[timem:s8], [sflag:s22] =	dma.local [hbm:s6], s20  }
0xa4: {  	_ =	swait.ge [sflag:s22], s20  }
0xa5: {  	s5 =	ssub.s32 $0x0, s20;
	[sflag:s22] =	ssyncset.done $0x0  }
0xa6: {  	[sflag:s22] =	ssyncadd.s32 s5;
	_ =	sdelay $0x1  }
0xa7: {  	s23 =	simm.s32 $0x1B8B  }
0xa8: {  	_ =	swait.ge [sflag:s23], $0x1  }
0xa9: {  	[sflag:s23] =	ssyncset.done $0x0  }
0xaa: {  	s25 =	simm.s32 $0x1B8E;
	s24 =	sld [smem:$0x3FFE];
	[sflag:s23] =	ssyncadd.s32 $0xFFFFFFFF  }
0xab: {  	s26 =	simm.s32 $execute0_lowered;
	[smem:$0x3FD2] =	sst s25  }
0xac: {  	s6 =	sshll.u32 s26, $0x1;
	_ =	strace $0x80000049;
	[dreg:$0x1] =	wrdreg $0xFFFFFFFF  }
0xad: {  	s28 =	simm.s32 $_size_execute0_lowered;
	s4 =	sadd.s32 s4, s6;
	[dreg:$0x0] =	wrdreg $0x0  }
0xae: {  	s6 =	sshll.u32 s28, $0x1;
	[dreg:$0x2] =	wrdreg s4  }
0xaf: {  	[dreg:$0x3] =	wrdreg s6  }
0xb0: {  	[dreg:$0x4] =	wrdreg $0xC0  }
0xb1: {  	_ =	task [dreg:s8], $0x5FFFF  }
0xb2: {  	[dreg:$0x1] =	wrdreg $0xFFFFFFFF  }
0xb3: {  	[dreg:$0x0] =	wrdreg $0x60  }
0xb4: {  	[dreg:$0x2] =	wrdreg s17  }
0xb5: {  	[dreg:$0x3] =	wrdreg s16  }
0xb6: {  	[dreg:$0x4] =	wrdreg s24  }
0xb7: {  	[dreg:$0x5] =	wrdreg $0x9  }
0xb8: {  	_ =	task.clear_ibuf [dreg:s8], $0x6FFFF;
	_ =	strace $0x90000049  }
0xb9: {  	s29 =	simm.s32 $0x9;
	_ =	strace $0x8000004B  }
0xba: {  	_ =	swait.ge [sflag:s29], $0x1  }
0xbb: {  	[sflag:s29] =	ssyncadd.s32 $0xFFFFFFFF  }
0xbc: {  	_ =	strace $0x9000004B  }
0xbd: {  	_ =	sfence  }
0xbe: {  	s30 =	sld [smem:$0x0];
	_ =	sdelay $0x2  }
0xbf: {  	s31 =	sshll.u32 s1, $0xD;
	s1 =	sshrl.u32 s1, $0x2  }
0xc0: {  	s3 =	sand.u32 $0x4000, s31;
	s1 =	sadd.s32 s1, s30  }
0xc1: {  	s0 =	sor.u32 s3, s0;
	s1 =	sshll.u32 s1, $0x11  }
0xc2: {  	s0 =	sor.u32 s1, s0  }
0xc3: {  	s0 =	sadd.s32 $0x8F2B, s0  }
0xc4: {  	[sflag:s0] =	ssyncadd.remote.s32 $0x1  }
0xc5: {  	_ =	sfence.sel $0xFFFF  }
0xc6: {  	[dreg:$0x0] =	wrdreg $0xFFFFFFFF;
	(pc) =	sbr.abs _section_cstart, $3  }
0xc7: {  	[dreg:$0x1] =	wrdreg $0xFFFFFFFF  }
0xc8: {  	_ =	task.clear_ibuf [dreg:s8], $0x2FFFF;
	_ =	strace $0x9FFFFFFF  }
0xc9: {  	(tm) =	ssettm $0x7FFFFFFF  }
tec
execute0_lowered:
.L_overlay_start_1:
0x0: {  	(tag) =	ssettag $0x1  }
0x1: {  	s1 =	rddreg [dreg:$0x0];
	s2 =	srdreg.scid  }
0x2: {  	s4 =	rddreg [dreg:$0x1];
	s0 =	stileid.u32  }
0x3: {  	s8 =	rddreg [dreg:$0x2];
	s3 =	simm.s32 $0x0;
	s6 =	sand.u32 $0x1, s2  }
0x4: {  	s5 =	sshll.u32 s0, $0xC;
	s2 =	rddreg [dreg:$0x3];
	s7 =	sshll.u32 s6, $0xB  }
0x5: {  	[smem:$0x7FF] =	sst s3;
	s7 =	sor.u32 s7, s5  }
0x6: {  	_ =	strace $0x8000004A;
	s10 =	ssub.s32 $0x2, s6;
	s5 =	sshrl.u32 s7, $0x3  }
0x7: {  	s6 =	simm.s32 $0x800;
	s5 =	sadd.s32 s4, s5;
	s4 =	simm.s32 $0x2  }
0x8: {  	[tilespmem:s3], [sflag:$0x2] =	stream.linear.gather [hbm4b:s5+s3], $0x800, $0x38;
	[tilespmem:$0x18800] =	vst v63  }
0x9: {  	s11 =	sshrl.u32 s10, $0x1;
	s9 =	smul.u32 $0x6, s7;
	_ =	swait.ge [sflag:s4], $0x800  }
0xa: {  	s7 =	simm.s32 $0x1;
	s31 =	ssub.s32 s10, s11;
	[sflag:s4] =	ssyncset.done $0x0  }
0xb: {  	s8 =	sadd.s32 s9, s8;
	s9 =	smax.u32 s31, $0x1;
	[sflag:s4] =	ssyncadd.s32 $0xFFFFF800  }
0xc: {  	[tilespmem:s6], [sflag:$0x1] =	stream.indirect.gather [hbm4b:s1+s6], $0x30, s3, s6, $0xb8;
	[tilespmem:$0x18800] =	vst v63  }
0xd: {  	p0 =	sne.s32 s9, $0x1;
	_ =	swait.ge [sflag:s7], $0x18000  }
.Ltmp0:
0xe: {  	[sflag:s7] =	ssyncset.done $0x0;
	(pc) =	sbr.rel @!p0 .LBB2_2-.Ltmp0, $4  }
0xf: {  	s8 =	sadd.s32 $0x2C00, s8;
	[sflag:s7] =	ssyncadd.s32 $0xFFFE8000  }
0x10: {  	[hbm4b:s8+s3] =	stream.linear.scatter [tilespmem:s6], [sflag:$0x2], $0x18000, $0x38;
	[tilespmem:$0x18800] =	vst v63  }
0x11: {  	_ =	swait.ge [sflag:s4], $0x18000  }
0x12: {  	s9 =	sadd.s32 $0xFFFFFFFF, s9;
	[sflag:s4] =	ssyncset.done $0x0  }
.LBB2_1:
0x13: {  	p0 =	sne.s32 s9, $0x1;
	s9 =	sadd.s32 $0xFFFFFFFF, s9;
	[sflag:s4] =	ssyncadd.s32 $0xFFFE8000  }
0x14: {  	[tilespmem:s3], [sflag:$0x2] =	stream.linear.gather [hbm4b:s5+s3], $0x800, $0x38;
	[tilespmem:$0x18800] =	vst v63  }
0x15: {  	_ =	swait.ge [sflag:s4], $0x800  }
0x16: {  	[sflag:s4] =	ssyncset.done $0x0  }
0x17: {  	[sflag:s4] =	ssyncadd.s32 $0xFFFFF800  }
0x18: {  	[tilespmem:s6], [sflag:$0x1] =	stream.indirect.gather [hbm4b:s1+s6], $0x30, s3, s6, $0xb8;
	[tilespmem:$0x18800] =	vst v63  }
0x19: {  	_ =	swait.ge [sflag:s7], $0x18000  }
.Ltmp1:
0x1a: {  	[sflag:s7] =	ssyncset.done $0x0;
	(pc) =	sbr.rel @p0 .LBB2_1-.Ltmp1, $4  }
0x1b: {  	[sflag:s7] =	ssyncadd.s32 $0xFFFE8000  }
0x1c: {  	[hbm4b:s8+s3] =	stream.linear.scatter [tilespmem:s6], [sflag:$0x2], $0x18000, $0x38;
	[tilespmem:$0x18800] =	vst v63  }
0x1d: {  	_ =	swait.ge [sflag:s4], $0x18000  }
0x1e: {  	[sflag:s4] =	ssyncset.done $0x0  }
.LBB2_2:
0x1f: {  	[sflag:s4] =	ssyncadd.s32 $0xFFFE8000  }
0x20: {  	_ =	sfence.sel $0x180000  }
0x21: {  	[bflag:$0x0] =	sbarrier.arrive $0xFFFF  }
0x22: {  	p0 =	sne.s32 s0, $0x0;
	_ =	strace $0x9000004A  }
0x23: {  	s0 =	sadd.s32 @!p0 $0x100000, s2;
	[bflag:$0x2] =	sbarrier.arrive $0xFFFF  }
0x24: {  	[sflag:s0] =	ssyncadd.tile.s32 @!p0 $0x1;
	_ =	shalt  }
.Lfunc_end2:
_tile_overlayer_lowered:
.L_overlay_start_2:
0x25: {  	(tag) =	ssettag $0x2  }
0x26: {  	s0 =	rddreg [dreg:$0x0];
	s2 =	stileid.u32  }
0x27: {  	s1 =	rddreg [dreg:$0x1];
	p0 =	sne.s32 s2, $0x0  }
0x28: {  	s3 =	rddreg [dreg:$0x2];
	[bflag:$0x3] =	sbarrier.arrive $0xFFFF;
	s2 =	simm.s32 @!p0 $0x1C02  }
0x29: {  	[timem:s3], [sflag:s2] =	dma.local @!p0 [hbm:s0], s1  }
0x2a: {  	s0 =	simm.s32 @!p0 $0x2  }
0x2b: {  	_ =	swait.ge @!p0 [sflag:s0], s1  }
0x2c: {  	s1 =	ssub.s32 @!p0 $0x0, s1;
	[sflag:s0] =	ssyncset.done @!p0 $0x0  }
0x2d: {  	[sflag:s0] =	ssyncadd.s32 @!p0 s1  }
0x2e: {  	[bflag:$0x3] =	sbarrier.arrive $0xFFFF  }
0x2f: {  	_ =	shalt  }

// kernel: kernel.9.cloned.1.call-start
scs
__scs_entry_jumppad:
0x0: {  	(pc) =	sbr.rel $0x88, $3  }
0x1: {  	(tag) =	ssettag $0x0;
	lr =	simm.s32 $0x1  }
0x2: {  	[smem:$0x3F8E] =	sst lr;
	_ =	strace $0xD0000000  }
0x3: {  	_ = 	snop  }
0x4: {  	_ = 	snop  }
0x5: {  	_ = 	snop  }
0x6: {  	_ = 	snop  }
0x7: {  	_ = 	snop  }
__scs_overlays_trampoline_lowered:
0x8: {  	[smem:$0x3F9D] =	sst s0  }
0x9: {  	[smem:$0x3F9E] =	sst s1  }
0xa: {  	[smem:$0x3F9F] =	sst s2  }
0xb: {  	[smem:$0x3FA0] =	sst s3  }
0xc: {  	[smem:$0x3FA1] =	sst s4  }
0xd: {  	[smem:$0x3FA2] =	sst s5  }
0xe: {  	[smem:$0x3FA3] =	sst s6  }
0xf: {  	[smem:$0x3FA4] =	sst s7  }
0x10: {  	[smem:$0x3FA5] =	sst s8  }
0x11: {  	[smem:$0x3FA6] =	sst s9;
	s0 =	simm.s32 @!p0 $0x0  }
0x12: {  	s1 =	sld [smem:$0x3F8C];
	s0 =	simm.s32 @p0 $0x1  }
0x13: {  	[smem:$0x3FA7] =	sst s0;
	s0 =	simm.s32 @!p1 $0x0  }
0x14: {  	s2 =	sld [smem:$0x3F8B];
	s0 =	simm.s32 @p1 $0x1  }
0x15: {  	[smem:$0x3FA8] =	sst s0;
	s0 =	simm.s32 @!p2 $0x0  }
0x16: {  	s3 =	sld [smem:$0x3FDB];
	s0 =	simm.s32 @p2 $0x1  }
0x17: {  	s4 =	simm.s32 $0x1BF5;
	[smem:$0x3FAA] =	sst s0  }
0x18: {  	s0 =	sld [smem:$0x3F8D];
	_ =	swait.ge [sflag:s4], $0x0  }
0x19: {  	s7 =	sld [smem:$0x3F8E]  }
0x1a: {  	s8 =	sadd.s32 $0xFFFFE003, lr  }
0x1b: {  	s9 =	sadd.s32 $0xFFFFFEF7, lr;
	s5 =	simm.s32 $0xFFFFFFFF;
	p2 =	slt.u32 s8, $0xFFFFF086  }
0x1c: {  	p1 =	slt.u32 s9, $0xF7A;
	s5 =	simm.s32 @!p2 $0x0  }
0x1d: {  	s5 =	simm.s32 @p1 $0x1;
	p0 =	seq.s32 s7, s2  }
0x1e: {  	s7 =	smul.u32 @!p0 $0xF7A, s2;
	p2 =	seq.s32 @!p0 s5, $0x0  }
0x1f: {  	s9 =	smul.u32 $0xF7A, s1;
	s8 =	simm.s32 @!p0 $0x1BF5;
	p2 =	por !p2, p0  }
0x20: {  	[sflag:s8] =	ssyncset.s32 @!p0 $0xFFFFF086;
	s6 =	sadd.s32 @!p0 s3, s7;
	s7 =	simm.s32 @!p0 $0x108  }
0x21: {  	s3 =	sadd.s32 s3, s9;
	s6 =	sadd.s32 @!p0 $0x88, s6;
	s7 =	simm.s32 @p2 $0x1082  }
0x22: {  	[simem:s7], [sflag:s8] =	dma.local @!p0 [hbm:s6], $0xF7A  }
0x23: {  	s9 =	sor.u32 $0xD0000000, s2;
	s6 =	simm.s32 $0x108;
	_ =	swait.ge @!p0 [sflag:s8], $0x0  }
0x24: {  	s3 =	sadd.s32 $0x88, s3;
	s6 =	simm.s32 @!p1 $0x1082;
	[sflag:s4] =	ssyncset.s32 $0xFFFFF086  }
0x25: {  	[simem:s6], [sflag:s4] =	dma.local [hbm:s3], $0xF7A  }
0x26: {  	[smem:$0x3F8E] =	sst s1;
	(tag) =	ssettag s2;
	_ =	strace s9  }
0x27: {  	s1 =	sld [smem:$0x3F9E]  }
0x28: {  	s2 =	sld [smem:$0x3F9F]  }
0x29: {  	s4 =	sld [smem:$0x3FA1]  }
0x2a: {  	p0 =	seq.s32 s5, $0x0;
	s5 =	sld [smem:$0x3FA2]  }
0x2b: {  	s6 =	sld [smem:$0x3FA3]  }
0x2c: {  	s7 =	sld [smem:$0x3FA4]  }
0x2d: {  	s3 =	simm.s32 $0x108;
	s8 =	sld [smem:$0x3FA5]  }
0x2e: {  	s3 =	simm.s32 @!p0 $0x1082;
	s9 =	sld [smem:$0x3FA6]  }
0x2f: {  	lr =	sadd.s32 s0, s3;
	s0 =	sld [smem:$0x3F9D]  }
0x30: {  	s3 =	sld [smem:$0x3FA0]  }
0x31: {  	[smem:$0x3FA9] =	sst s10  }
0x32: {  	s10 =	sld [smem:$0x3FA7];
	_ =	sdelay $0x3  }
0x33: {  	p0 =	seq.s32 s10, $0x1;
	s10 =	sld [smem:$0x3FA9];
	_ =	sdelay $0x3  }
0x34: {  	[smem:$0x3FA9] =	sst s10  }
0x35: {  	s10 =	sld [smem:$0x3FA8];
	_ =	sdelay $0x3  }
0x36: {  	p1 =	seq.s32 s10, $0x1;
	s10 =	sld [smem:$0x3FA9];
	_ =	sdelay $0x3  }
0x37: {  	[smem:$0x3FA9] =	sst s10  }
0x38: {  	s10 =	sld [smem:$0x3FAA]  }
0x39: {  	_ = 	snop;
	(pc) =	sbr.ind lr, $3  }
0x3a: {  	_ = 	snop  }
0x3b: {  	_ = 	snop  }
0x3c: {  	p2 =	seq.s32 s10, $0x1;
	s10 =	sld [smem:$0x3FA9]  }
0x3d: {  	_ =	shalt  }
0x3e: {  	_ =	shalt  }
0x3f: {  	_ =	shalt  }
0x40: {  	_ =	shalt  }
0x41: {  	_ =	shalt  }
0x42: {  	_ =	shalt  }
0x43: {  	_ =	shalt  }
0x44: {  	_ =	shalt  }
0x45: {  	_ =	shalt  }
0x46: {  	_ =	shalt  }
0x47: {  	_ =	shalt  }
0x48: {  	_ =	shalt  }
0x49: {  	_ =	shalt  }
0x4a: {  	_ =	shalt  }
0x4b: {  	_ =	shalt  }
0x4c: {  	_ =	shalt  }
0x4d: {  	_ =	shalt  }
0x4e: {  	_ =	shalt  }
0x4f: {  	_ =	shalt  }
0x50: {  	_ =	shalt  }
0x51: {  	_ =	shalt  }
0x52: {  	_ =	shalt  }
0x53: {  	_ =	shalt  }
0x54: {  	_ =	shalt  }
0x55: {  	_ =	shalt  }
0x56: {  	_ =	shalt  }
0x57: {  	_ =	shalt  }
0x58: {  	_ =	shalt  }
0x59: {  	_ =	shalt  }
0x5a: {  	_ =	shalt  }
0x5b: {  	_ =	shalt  }
0x5c: {  	_ =	shalt  }
0x5d: {  	_ =	shalt  }
0x5e: {  	_ =	shalt  }
0x5f: {  	_ =	shalt  }
0x60: {  	_ =	shalt  }
0x61: {  	_ =	shalt  }
0x62: {  	_ =	shalt  }
0x63: {  	_ =	shalt  }
0x64: {  	_ =	shalt  }
0x65: {  	_ =	shalt  }
0x66: {  	_ =	shalt  }
0x67: {  	_ =	shalt  }
0x68: {  	_ =	shalt  }
0x69: {  	_ =	shalt  }
0x6a: {  	_ =	shalt  }
0x6b: {  	_ =	shalt  }
0x6c: {  	_ =	shalt  }
0x6d: {  	_ =	shalt  }
0x6e: {  	_ =	shalt  }
0x6f: {  	_ =	shalt  }
0x70: {  	_ =	shalt  }
0x71: {  	_ =	shalt  }
0x72: {  	_ =	shalt  }
0x73: {  	_ =	shalt  }
0x74: {  	_ =	shalt  }
0x75: {  	_ =	shalt  }
0x76: {  	_ =	shalt  }
0x77: {  	_ =	shalt  }
0x78: {  	_ =	shalt  }
0x79: {  	_ =	shalt  }
0x7a: {  	_ =	shalt  }
0x7b: {  	_ =	shalt  }
0x7c: {  	_ =	shalt  }
0x7d: {  	_ =	shalt  }
0x7e: {  	_ =	shalt  }
0x7f: {  	_ =	shalt  }
0x80: {  	_ =	shalt  }
0x81: {  	_ =	shalt  }
0x82: {  	_ =	shalt  }
0x83: {  	_ =	shalt  }
0x84: {  	_ =	shalt  }
0x85: {  	_ =	shalt  }
0x86: {  	_ =	shalt  }
0x87: {  	_ =	shalt  }
.Lfunc_end0:
.L_simem_size_0:
called_computation.1_lowered:
.L_overlay_start_0:
0x88: {  	s2 =	sld [smem:$0x3FD9]  }
0x89: {  	s3 =	sld [smem:$0x3FFE];
	_ =	sdelay $0x1  }
0x8a: {  	s1 =	srdreg.scid  }
0x8b: {  	s0 =	sand.u32 $0x1, s1  }
0x8c: {  	s15 =	sshll.u32 s0, $0xA;
	s2 =	sadd.s32 s3, s2  }
0x8d: {  	s2 =	sadd.s32 s2, s15  }
0x8e: {  	[smem:$0x3FB5] =	sst s2  }
0x8f: {  	_ = 	snop  }
0x90: {  	s2 =	sld [smem:$0x3FD0];
	_ =	sdelay $0x2  }
0x91: {  	s16 =	simm.s32 $0xA;
	s4 =	simm.s32 $0x10  }
0x92: {  	[smem:s4], [sflag:s16] =	dma.local [hbm:s2], $0x1  }
0x93: {  	_ =	swait.eq [sflag:s16], $0x1  }
0x94: {  	s17 =	sld [smem:$0x12];
	[sflag:s16] =	ssyncset.done $0x0  }
0x95: {  	s18 =	sld [smem:$0x13];
	[sflag:s16] =	ssyncadd.s32 $0xFFFFFFFF  }
0x96: {  	s19 =	sld [smem:$0x15];
	(tm) =	ssettm $0x1  }
0x97: {  	s5 =	sld [smem:$0x3FFB];
	_ =	sdelay $0x3  }
0x98: {  	_ =	strace s5  }
0x99: {  	s5 =	sld [smem:$0x3FFC];
	_ =	sdelay $0x3  }
0x9a: {  	_ =	strace s5  }
0x9b: {  	s5 =	sld [smem:$0x3FFD];
	_ =	sdelay $0x3  }
0x9c: {  	_ =	strace s5  }
0x9d: {  	_ =	strace $0x8FFFFFFF  }
0x9e: {  	s20 =	sld [smem:$0x3FDB];
	_ =	sdelay $0x1  }
0x9f: {  	s6 =	simm.s32 $_scs_section_size  }
0xa0: {  	s7 =	simm.s32 $_size__tile_overlayer_lowered;
	s8 =	simm.s32 $_tile_overlayer_lowered  }
0xa1: {  	s23 =	simm.s32 $0x1BFF;
	s22 =	sshll.u32 s8, $0x1;
	s5 =	sadd.s32 s6, s20  }
0xa2: {  	s9 =	simm.s32 $0x0;
	s21 =	sshll.u32 s7, $0x1;
	s7 =	sadd.s32 s22, s5  }
0xa3: {  	[timem:s9], [sflag:s23] =	dma.local [hbm:s7], s21  }
0xa4: {  	_ =	swait.ge [sflag:s23], s21  }
0xa5: {  	s6 =	ssub.s32 $0x0, s21;
	[sflag:s23] =	ssyncset.done $0x0  }
0xa6: {  	[sflag:s23] =	ssyncadd.s32 s6;
	_ =	sdelay $0x1  }
0xa7: {  	s24 =	simm.s32 $0x1B8B  }
0xa8: {  	_ =	swait.ge [sflag:s24], $0x1  }
0xa9: {  	[sflag:s24] =	ssyncset.done $0x0  }
0xaa: {  	s25 =	simm.s32 $0x1B8E;
	[sflag:s24] =	ssyncadd.s32 $0xFFFFFFFF  }
0xab: {  	s26 =	simm.s32 $execute0_lowered;
	[smem:$0x3FD2] =	sst s25  }
0xac: {  	s6 =	sshll.u32 s26, $0x1;
	_ =	strace $0x80000046;
	[dreg:$0x1] =	wrdreg $0xFFFFFFFF  }
0xad: {  	s28 =	simm.s32 $_size_execute0_lowered;
	s5 =	sadd.s32 s5, s6;
	[dreg:$0x0] =	wrdreg $0x0  }
0xae: {  	s6 =	sshll.u32 s28, $0x1;
	[dreg:$0x2] =	wrdreg s5  }
0xaf: {  	[dreg:$0x3] =	wrdreg s6  }
0xb0: {  	[dreg:$0x4] =	wrdreg $0xC0  }
0xb1: {  	_ =	task [dreg:s9], $0x5FFFF  }
0xb2: {  	[dreg:$0x1] =	wrdreg $0xFFFFFFFF  }
0xb3: {  	[dreg:$0x0] =	wrdreg $0x60  }
0xb4: {  	[dreg:$0x2] =	wrdreg s18  }
0xb5: {  	[dreg:$0x3] =	wrdreg s19  }
0xb6: {  	[dreg:$0x4] =	wrdreg s17  }
0xb7: {  	[dreg:$0x5] =	wrdreg $0x9  }
0xb8: {  	_ =	task.clear_ibuf [dreg:s9], $0x6FFFF;
	_ =	strace $0x90000046  }
0xb9: {  	s29 =	simm.s32 $0x9;
	_ =	strace $0x80000048  }
0xba: {  	_ =	swait.ge [sflag:s29], $0x1  }
0xbb: {  	[sflag:s29] =	ssyncadd.s32 $0xFFFFFFFF  }
0xbc: {  	_ =	strace $0x90000048  }
0xbd: {  	_ =	sfence  }
0xbe: {  	s30 =	sld [smem:$0x0];
	_ =	sdelay $0x2  }
0xbf: {  	s31 =	sshll.u32 s1, $0xD;
	s1 =	sshrl.u32 s1, $0x2  }
0xc0: {  	s3 =	sand.u32 $0x4000, s31;
	s1 =	sadd.s32 s1, s30  }
0xc1: {  	s0 =	sor.u32 s3, s0;
	s1 =	sshll.u32 s1, $0x11  }
0xc2: {  	s0 =	sor.u32 s1, s0  }
0xc3: {  	s0 =	sadd.s32 $0x8F2B, s0  }
0xc4: {  	[sflag:s0] =	ssyncadd.remote.s32 $0x1  }
0xc5: {  	_ =	sfence.sel $0xFFFF  }
0xc6: {  	[dreg:$0x0] =	wrdreg $0xFFFFFFFF;
	(pc) =	sbr.abs _section_cstart, $3  }
0xc7: {  	[dreg:$0x1] =	wrdreg $0xFFFFFFFF  }
0xc8: {  	_ =	task.clear_ibuf [dreg:s9], $0x2FFFF;
	_ =	strace $0x9FFFFFFF  }
0xc9: {  	(tm) =	ssettm $0x7FFFFFFF  }
tec
execute0_lowered:
.L_overlay_start_1:
0x0: {  	(tag) =	ssettag $0x1  }
0x1: {  	s1 =	rddreg [dreg:$0x0]  }
0x2: {  	s2 =	srdreg.scid;
	s4 =	rddreg [dreg:$0x1]  }
0x3: {  	s0 =	stileid.u32;
	s8 =	rddreg [dreg:$0x2];
	s6 =	sand.u32 $0x1, s2  }
0x4: {  	s3 =	simm.s32 $0x0;
	s5 =	sshll.u32 s0, $0x8;
	s7 =	sshll.u32 s6, $0x7  }
0x5: {  	[smem:$0x7FF] =	sst s3;
	s9 =	sor.u32 s7, s5  }
0x6: {  	s2 =	rddreg [dreg:$0x3];
	_ =	strace $0x80000047;
	s5 =	sshrl.u32 s9, $0x3  }
0x7: {  	s10 =	ssub.s32 $0x2, s6;
	s5 =	sadd.s32 s4, s5;
	s4 =	simm.s32 $0x2  }
0x8: {  	[tilespmem:s3], [sflag:$0x2] =	stream.linear.gather [hbm4b:s5+s3], $0x80, $0x38;
	[tilespmem:$0x1880] =	vst v63  }
0x9: {  	s11 =	sshrl.u32 s10, $0x1;
	_ =	swait.ge [sflag:s4], $0x80  }
0xa: {  	s6 =	simm.s32 $0x80;
	s10 =	ssub.s32 s10, s11;
	[sflag:s4] =	ssyncset.done $0x0  }
0xb: {  	s7 =	simm.s32 $0x1;
	s31 =	smax.u32 s10, $0x1;
	[sflag:s4] =	ssyncadd.s32 $0xFFFFFF80  }
0xc: {  	[tilespmem:s6], [sflag:$0x1] =	stream.indirect.gather [hbm4b:s1+s6], $0x30, s3, s6, $0xb8;
	[tilespmem:$0x1880] =	vst v63  }
0xd: {  	s9 =	smul.u32 $0x6, s9;
	p0 =	sne.s32 s31, $0x1;
	_ =	swait.ge [sflag:s7], $0x1800  }
.Ltmp0:
0xe: {  	[sflag:s7] =	ssyncset.done $0x0;
	(pc) =	sbr.rel @!p0 .LBB2_2-.Ltmp0, $4  }
0xf: {  	s8 =	sadd.s32 s8, s9;
	[sflag:s7] =	ssyncadd.s32 $0xFFFFE800  }
0x10: {  	[hbm4b:s8+s3] =	stream.linear.scatter [tilespmem:s6], [sflag:$0x2], $0x1800, $0x38;
	[tilespmem:$0x1880] =	vst v63  }
0x11: {  	_ =	swait.ge [sflag:s4], $0x1800  }
0x12: {  	s9 =	sadd.s32 $0xFFFFFFFF, s31;
	[sflag:s4] =	ssyncset.done $0x0  }
.LBB2_1:
0x13: {  	p0 =	sne.s32 s9, $0x1;
	s9 =	sadd.s32 $0xFFFFFFFF, s9;
	[sflag:s4] =	ssyncadd.s32 $0xFFFFE800  }
0x14: {  	[tilespmem:s3], [sflag:$0x2] =	stream.linear.gather [hbm4b:s5+s3], $0x80, $0x38;
	[tilespmem:$0x1880] =	vst v63  }
0x15: {  	_ =	swait.ge [sflag:s4], $0x80  }
0x16: {  	[sflag:s4] =	ssyncset.done $0x0  }
0x17: {  	[sflag:s4] =	ssyncadd.s32 $0xFFFFFF80  }
0x18: {  	[tilespmem:s6], [sflag:$0x1] =	stream.indirect.gather [hbm4b:s1+s6], $0x30, s3, s6, $0xb8;
	[tilespmem:$0x1880] =	vst v63  }
0x19: {  	_ =	swait.ge [sflag:s7], $0x1800  }
.Ltmp1:
0x1a: {  	[sflag:s7] =	ssyncset.done $0x0;
	(pc) =	sbr.rel @p0 .LBB2_1-.Ltmp1, $4  }
0x1b: {  	[sflag:s7] =	ssyncadd.s32 $0xFFFFE800  }
0x1c: {  	[hbm4b:s8+s3] =	stream.linear.scatter [tilespmem:s6], [sflag:$0x2], $0x1800, $0x38;
	[tilespmem:$0x1880] =	vst v63  }
0x1d: {  	_ =	swait.ge [sflag:s4], $0x1800  }
0x1e: {  	[sflag:s4] =	ssyncset.done $0x0  }
.LBB2_2:
0x1f: {  	[sflag:s4] =	ssyncadd.s32 $0xFFFFE800  }
0x20: {  	_ =	sfence.sel $0x180000  }
0x21: {  	[bflag:$0x0] =	sbarrier.arrive $0xFFFF  }
0x22: {  	p0 =	sne.s32 s0, $0x0;
	_ =	strace $0x90000047  }
0x23: {  	s0 =	sadd.s32 @!p0 $0x100000, s2;
	[bflag:$0x2] =	sbarrier.arrive $0xFFFF  }
0x24: {  	[sflag:s0] =	ssyncadd.tile.s32 @!p0 $0x1;
	_ =	shalt  }
.Lfunc_end2:
_tile_overlayer_lowered:
.L_overlay_start_2:
0x25: {  	(tag) =	ssettag $0x2  }
0x26: {  	s0 =	rddreg [dreg:$0x0];
	s2 =	stileid.u32  }
0x27: {  	s1 =	rddreg [dreg:$0x1];
	p0 =	sne.s32 s2, $0x0  }
0x28: {  	s3 =	rddreg [dreg:$0x2];
	[bflag:$0x3] =	sbarrier.arrive $0xFFFF;
	s2 =	simm.s32 @!p0 $0x1C02  }
0x29: {  	[timem:s3], [sflag:s2] =	dma.local @!p0 [hbm:s0], s1  }
0x2a: {  	s0 =	simm.s32 @!p0 $0x2  }
0x2b: {  	_ =	swait.ge @!p0 [sflag:s0], s1  }
0x2c: {  	s1 =	ssub.s32 @!p0 $0x0, s1;
	[sflag:s0] =	ssyncset.done @!p0 $0x0  }
0x2d: {  	[sflag:s0] =	ssyncadd.s32 @!p0 s1  }
0x2e: {  	[bflag:$0x3] =	sbarrier.arrive $0xFFFF  }
0x2f: {  	_ =	shalt  }

// kernel: sparse-core-data-format-call.cloned.1.call-start
scs
called_computation_lowered:
.L_overlay_start_0:
0x0: {  	s2 =	sld [smem:$0x3FD9]  }
0x1: {  	s3 =	sld [smem:$0x3FFE];
	_ =	sdelay $0x1  }
0x2: {  	s1 =	srdreg.scid  }
0x3: {  	s0 =	sand.u32 $0x1, s1  }
0x4: {  	s15 =	sshll.u32 s0, $0xA;
	s2 =	sadd.s32 s3, s2  }
0x5: {  	s2 =	sadd.s32 s2, s15  }
0x6: {  	[smem:$0x3FB5] =	sst s2  }
0x7: {  	_ = 	snop  }
0x8: {  	s2 =	sld [smem:$0x3FD0];
	_ =	sdelay $0x2  }
0x9: {  	s16 =	simm.s32 $0xA;
	s4 =	simm.s32 $0x10  }
0xa: {  	[smem:s4], [sflag:s16] =	dma.local [hbm:s2], $0x1  }
0xb: {  	_ =	swait.eq [sflag:s16], $0x1  }
0xc: {  	[sflag:s16] =	ssyncset.done $0x0  }
0xd: {  	[sflag:s16] =	ssyncadd.s32 $0xFFFFFFFF  }
0xe: {  	s17 =	sld [smem:$0x14];
	(tm) =	ssettm $0x1  }
0xf: {  	s18 =	sld [smem:$0x3FFB];
	_ =	sdelay $0x3  }
0x10: {  	_ =	strace s18  }
0x11: {  	s3 =	sld [smem:$0x3FFC];
	_ =	sdelay $0x3  }
0x12: {  	_ =	strace s3  }
0x13: {  	s3 =	sld [smem:$0x3FFD];
	_ =	sdelay $0x3  }
0x14: {  	_ =	strace s3  }
0x15: {  	_ =	strace $0x8FFFFFFF  }
0x16: {  	s19 =	sld [smem:$0x3FDB];
	_ =	sdelay $0x1  }
0x17: {  	s20 =	simm.s32 $_scs_section_size  }
0x18: {  	s5 =	simm.s32 $_size__tile_overlayer_lowered;
	s6 =	simm.s32 $_tile_overlayer_lowered  }
0x19: {  	s23 =	simm.s32 $0x1BFF;
	s22 =	sshll.u32 s6, $0x1;
	s3 =	sadd.s32 s20, s19  }
0x1a: {  	s7 =	simm.s32 $0x0;
	s21 =	sshll.u32 s5, $0x1;
	s5 =	sadd.s32 s22, s3  }
0x1b: {  	[timem:s7], [sflag:s23] =	dma.local [hbm:s5], s21  }
0x1c: {  	_ =	swait.ge [sflag:s23], s21  }
0x1d: {  	s4 =	ssub.s32 $0x0, s21;
	[sflag:s23] =	ssyncset.done $0x0  }
0x1e: {  	[sflag:s23] =	ssyncadd.s32 s4;
	_ =	sdelay $0x1  }
0x1f: {  	s24 =	simm.s32 $0x1B8B  }
0x20: {  	_ =	swait.ge [sflag:s24], $0x1  }
0x21: {  	[sflag:s24] =	ssyncset.done $0x0  }
0x22: {  	s26 =	simm.s32 $0x1B8E;
	s25 =	sld [smem:$0x3FFE];
	[sflag:s24] =	ssyncadd.s32 $0xFFFFFFFF  }
0x23: {  	s27 =	simm.s32 $execute0_lowered;
	[smem:$0x3FD2] =	sst s26  }
0x24: {  	s5 =	sshll.u32 s27, $0x1;
	_ =	strace $0x8000004C;
	[dreg:$0x1] =	wrdreg $0xFFFFFFFF  }
0x25: {  	s28 =	simm.s32 $_size_execute0_lowered;
	s3 =	sadd.s32 s3, s5;
	[dreg:$0x0] =	wrdreg $0x0  }
0x26: {  	s5 =	sshll.u32 s28, $0x1;
	[dreg:$0x2] =	wrdreg s3  }
0x27: {  	[dreg:$0x3] =	wrdreg s5  }
0x28: {  	[dreg:$0x4] =	wrdreg $0xC0  }
0x29: {  	_ =	task [dreg:s7], $0x5FFFF  }
0x2a: {  	[dreg:$0x1] =	wrdreg $0xFFFFFFFF  }
0x2b: {  	[dreg:$0x0] =	wrdreg $0x60  }
0x2c: {  	[dreg:$0x2] =	wrdreg s25  }
0x2d: {  	[dreg:$0x3] =	wrdreg s17  }
0x2e: {  	[dreg:$0x4] =	wrdreg $0x9  }
0x2f: {  	_ =	task.clear_ibuf [dreg:s7], $0x5FFFF;
	_ =	strace $0x9000004C  }
0x30: {  	s29 =	simm.s32 $0x9;
	_ =	strace $0x8000004E  }
0x31: {  	_ =	swait.ge [sflag:s29], $0x1  }
0x32: {  	[sflag:s29] =	ssyncadd.s32 $0xFFFFFFFF  }
0x33: {  	_ =	strace $0x9000004E  }
0x34: {  	_ =	sfence  }
0x35: {  	s30 =	sld [smem:$0x0];
	_ =	sdelay $0x2  }
0x36: {  	s31 =	sshll.u32 s1, $0xD;
	s1 =	sshrl.u32 s1, $0x2  }
0x37: {  	s3 =	sand.u32 $0x4000, s31;
	s1 =	sadd.s32 s1, s30  }
0x38: {  	s0 =	sor.u32 s3, s0;
	s1 =	sshll.u32 s1, $0x11  }
0x39: {  	s0 =	sor.u32 s1, s0  }
0x3a: {  	s0 =	sadd.s32 $0x8F2B, s0  }
0x3b: {  	[sflag:s0] =	ssyncadd.remote.s32 $0x1  }
0x3c: {  	_ =	sfence.sel $0xFFFF  }
0x3d: {  	[dreg:$0x0] =	wrdreg $0xFFFFFFFF;
	(pc) =	sbr.abs _section_cstart, $3  }
0x3e: {  	[dreg:$0x1] =	wrdreg $0xFFFFFFFF  }
0x3f: {  	_ =	task.clear_ibuf [dreg:s7], $0x2FFFF;
	_ =	strace $0x9FFFFFFF  }
0x40: {  	(tm) =	ssettm $0x7FFFFFFF  }
0x41: {  	_ =	shalt  }
tec
execute0_lowered:
.L_overlay_start_1:
0x0: {  	(tag) =	ssettag $0x1  }
0x1: {  	s0 =	stileid.u32;
	s4 =	rddreg [dreg:$0x0]  }
0x2: {  	s1 =	srdreg.scid;
	s3 =	rddreg [dreg:$0x1];
	s7 =	simm.s32 $0x1  }
0x3: {  	s31 =	simm.s32 $0x2;
	s2 =	sshll.u32 s0, $0x5;
	s1 =	sshll.u32 s1, $0x9  }
0x4: {  	s16 =	simm.s32 $0x0;
	s9 =	simm.s32 $0x4000;
	s1 =	sor.u32 s2, s1  }
0x5: {  	s14 =	simm.s32 $0x0;
	s15 =	simm.s32 $0x0;
	s2 =	sand.u32 $0x380, s1  }
0x6: {  	s10 =	simm.s32 $0x0;
	s13 =	simm.s32 $0x0;
	s5 =	ssub.s32 $0x400, s2  }
0x7: {  	s4 =	sadd.s32 $0x2C00, s4;
	s1 =	rddreg [dreg:$0x2];
	s6 =	sand.u32 $0x380, s5  }
.Ltmp0:
0x8: {  	_ =	strace $0x8000004D;
	p0 =	sne.s32 s6, $0x0;
	(pc) =	sbr.rel .LBB1_1-.Ltmp0, $4  }
0x9: {  	s11 =	smov.u32 s2;
	s8 =	sshrl.u32 s5, $0xA;
	s7 =	simm.s32 @!p0 $0x0  }
0xa: {  	s5 =	sand.u32 $0x3, s0;
	s6 =	simm.s32 $0x1;
	s7 =	sadd.s32 s7, s8  }
0xb: {  	s12 =	smov.u32 s5;
	[sflag:s6] =	ssyncpa.u1 $0x0;
	s7 =	sshll.u32 s7, $0x4  }
0xc: {  	p0 =	por $0x0, $0x0;
	[sflag:s31] =	ssyncpa.u1 $0x0;
	s8 =	sor.u32 $0x1, s7  }
.LBB1_4:
0xd: {  	v5 =	vld [tilespmem:s20+$0xFFFFFFD0];
	[tilespmem:s19+$0x2040 ss:$0x81] =	vst.msk $0xffff, v1  }
0xe: {  	v58 =	vld [tilespmem:s20+$0xFFFFFFE0];
	[tilespmem:s19+$0x2850 ss:$0x81] =	vst.msk $0xffff, v2  }
0xf: {  	s21 =	sshra.s32 s21, $0x2;
	v59 =	vld [tilespmem:s20+$0xFFFFFFF0];
	[tilespmem:s19+$0x3060 ss:$0x81] =	vst.msk $0xffff, v3  }
0x10: {  	v60 =	vld [tilespmem:s20+$0x0];
	[tilespmem:s19+$0x0 ss:$0x81] =	vst.msk $0xffff, v0;
	s18 =	sadd.s32 s21, s18  }
0x11: {  	v61 =	vld [tilespmem:s20+$0x10];
	[tilespmem:s18+$0x3870 ss:$0x81] =	vst.msk $0xffff, v4  }
0x12: {  	v62 =	vld [tilespmem:s20+$0x20];
	s26 =	sshll.u32 s16, $0xA;
	s27 =	sshll.u32 s14, $0x3;
	[tilespmem:s18+$0x810 ss:$0x81] =	vst.msk $0xffff, v5  }
0x13: {  	v63 =	vld [tilespmem:s20+$0xFFFFFFC0];
	s29 =	sshll.u32 s16, $0x7;
	s30 =	sand.u32 $0x78, s14;
	s15 =	sshll.u32 s15, $0x12;
	[tilespmem:s18+$0x1020 ss:$0x81] =	vst.msk $0xffff, v58  }
0x14: {  	s19 =	sand.u32 $0x2000, s26;
	s28 =	sand.u32 $0x3C00, s27;
	s16 =	sand.u32 $0x380, s29;
	[tilespmem:s18+$0x1830 ss:$0x81] =	vst.msk $0xffff, v59  }
0x15: {  	s31 =	sand.u32 $0x7, s14;
	s19 =	sadd.s32 s28, s19;
	s16 =	sor.u32 s30, s16;
	[tilespmem:s18+$0x2040 ss:$0x81] =	vst.msk $0xffff, v60  }
0x16: {  	s15 =	sadd.s32 s3, s15;
	s19 =	sshrl.u32 s19, $0x3;
	s16 =	sshrl.u32 s16, $0x3;
	[tilespmem:s18+$0x2850 ss:$0x81] =	vst.msk $0xffff, v61  }
0x17: {  	s14 =	sshll.u32 s31, $0x12;
	s19 =	sand.u32 $0x780, s19;
	s15 =	sadd.s32 s16, s15;
	[tilespmem:s18+$0x3060 ss:$0x81] =	vst.msk $0xffff, v62  }
0x18: {  	s14 =	sor.u32 $0x80, s14;
	[tilespmem:s18+$0x0 ss:$0x81] =	vst.msk $0xffff, v63;
	s15 =	sadd.s32 s19, s15  }
0x19: {  	[hbm4b:s15+s14] =	stream.strided.scatter [tilespmem:s17], [sflag:$0x2], $0x4000, s9, s14, $0x20;
	[tilespmem:$0x10100] =	vst v63  }
.LBB1_5:
0x1a: {  	s17 =	sadd.s32 $0x1, s10  }
0x1b: {  	s14 =	sadd.s32 $0x400, s11;
	s18 =	smov.u32 s11;
	p2 =	sgt.s32 s17, $0xF  }
0x1c: {  	s18 =	smov.u32 @p2 s14  }
0x1d: {  	s20 =	smov.u32 s12;
	s14 =	sadd.s32 $0x4, s12;
	p3 =	sgt.s32 s18, $0x3FF  }
0x1e: {  	s20 =	smov.u32 @p3 s14  }
0x1f: {  	s17 =	simm.s32 @p2 $0x0;
	p2 =	sgt.s32 s20, $0x3  }
0x20: {  	p1 =	slt.u32 s13, $0x2;
	s20 =	smov.u32 @p2 s5;
	p2 =	sne.s32 s13, s8  }
.Ltmp1:
0x21: {  	s19 =	simm.s32 @!p1 $0x2;
	(pc) =	sbr.rel @!p2 .LBB1_6-.Ltmp1, $4  }
0x22: {  	s16 =	smov.u32 s10;
	s15 =	smov.u32 s12;
	_ =	swait.ge @!p1 [sflag:s19], $0x4000  }
0x23: {  	p0 =	por !p0, !p0;
	[sflag:s19] =	ssyncset.done @!p1 $0x0;
	s10 =	smov.u32 s17  }
0x24: {  	s18 =	smov.u32 @p3 s2;
	s14 =	smov.u32 s11;
	[sflag:s19] =	ssyncadd.s32 @!p1 $0xFFFFC000  }
0x25: {  	s11 =	smov.u32 s18;
	s13 =	sadd.s32 $0x1, s13;
	s12 =	smov.u32 s20  }
.LBB1_1:
0x26: {  	p1 =	sge.u32 s13, s7;
	s31 =	sadd.s32 $0xFFFFFFFF, s13  }
0x27: {  	s17 =	sxor.u32 @!p1 $0xFFFFFFFF, s13;
	s18 =	sshll.u32 @!p1 s12, $0x12;
	s19 =	sshll.u32 @!p1 s11, $0x8  }
0x28: {  	s20 =	sshll.u32 @!p1 s10, $0x4;
	s17 =	sshll.u32 @!p1 s17, $0xE;
	s18 =	sadd.s32 @!p1 s4, s18  }
0x29: {  	s20 =	sand.u32 @!p1 $0xF0, s20;
	s17 =	sand.u32 @!p1 $0x4000, s17;
	s18 =	sadd.s32 @!p1 s19, s18  }
0x2a: {  	s19 =	simm.s32 @!p1 $0x80;
	s18 =	sadd.s32 @!p1 s20, s18;
	s20 =	simm.s32 @!p1 $0x800  }
0x2b: {  	[tilespmem:s17], [sflag:$0x1] =	stream.strided.gather @!p1 [hbm4b:s18+s19], $0x4000, s20, s19, $0x38;
	[tilespmem:$0x10100] =	vst v63  }
0x2c: {  	p1 =	sge.u32 s31, s7  }
.Ltmp2:
0x2d: {  	_ = 	snop;
	(pc) =	sbr.rel @p1 .LBB1_5-.Ltmp2, $1  }
0x2e: {  	_ =	sdelay $0x3  }
0x2f: {  	s17 =	simm.s32 $0x1  }
0x30: {  	_ =	swait.ge [sflag:s6], $0x4000;
	s17 =	simm.s32 @!p0 $0x0  }
0x31: {  	[sflag:s6] =	ssyncset.done $0x0;
	s18 =	sshll.u32 s17, $0xE  }
0x32: {  	[sflag:s6] =	ssyncadd.s32 $0xFFFFC000;
	s20 =	sor.u32 $0x40, s18  }
0x33: {  	s17 =	smul.u32 $0x10200, s17;
	v0 =	vld [tilespmem:s20+$0x30]  }
0x34: {  	v3 =	vld [tilespmem:s20+$0xFFFFFFD0]  }
0x35: {  	s17 =	sshrl.u32 s17, $0x2;
	v4 =	vld [tilespmem:s20+$0xFFFFFFE0]  }
0x36: {  	v5 =	vld [tilespmem:s20+$0xFFFFFFF0];
	s18 =	sor.u32 $0x8000, s17  }
0x37: {  	s31 =	sand.u32 $0x1, s13;
	v1 =	vld [tilespmem:s20+$0x0];
	s19 =	sadd.s32 $0x0, s18  }
0x38: {  	v2 =	vld [tilespmem:s20+$0x10];
	s17 =	smul.u32 $0x10200, s31;
	[tilespmem:s19+$0x3870 ss:$0x81] =	vst.msk $0xffff, v0  }
0x39: {  	[tilespmem:s19+$0x810 ss:$0x81] =	vst.msk $0xffff, v3;
	v3 =	vld [tilespmem:s20+$0x20]  }
0x3a: {  	s17 =	sshrl.u32 s17, $0x2;
	v0 =	vld [tilespmem:s20+$0xFFFFFFC0];
	[tilespmem:s19+$0x1020 ss:$0x81] =	vst.msk $0xffff, v4;
	s20 =	sadd.s32 $0x80, s20  }
0x3b: {  	s21 =	simm.s32 $0x4;
	s22 =	simm.s32 $0x8;
	s17 =	sor.u32 $0x8000, s17;
	[tilespmem:s19+$0x1830 ss:$0x81] =	vst.msk $0xffff, v5;
	v4 =	vld [tilespmem:s20+$0x30]  }
.LBB1_3:
0x3c: {  	p1 =	sne.s32 s22, $0x1FC;
	v5 =	vld [tilespmem:s20+$0xFFFFFFD0];
	[tilespmem:s19+$0x2040 ss:$0x81] =	vst.msk $0xffff, v1  }
0x3d: {  	v6 =	vld [tilespmem:s20+$0xFFFFFFE0];
	[tilespmem:s19+$0x2850 ss:$0x81] =	vst.msk $0xffff, v2  }
0x3e: {  	s23 =	sshra.s32 s21, $0x2;
	s21 =	smov.u32 s22;
	v7 =	vld [tilespmem:s20+$0xFFFFFFF0];
	[tilespmem:s19+$0x3060 ss:$0x81] =	vst.msk $0xffff, v3  }
.Ltmp3:
0x3f: {  	v1 =	vld [tilespmem:s20+$0x0];
	[tilespmem:s19+$0x0 ss:$0x81] =	vst.msk $0xffff, v0;
	s19 =	sadd.s32 s23, s18;
	(pc) =	sbr.rel @p1 .LBB1_3-.Ltmp3, $4  }
0x40: {  	v2 =	vld [tilespmem:s20+$0x10];
	[tilespmem:s19+$0x3870 ss:$0x81] =	vst.msk $0xffff, v4  }
0x41: {  	[tilespmem:s19+$0x810 ss:$0x81] =	vst.msk $0xffff, v5;
	v3 =	vld [tilespmem:s20+$0x20]  }
0x42: {  	v0 =	vld [tilespmem:s20+$0xFFFFFFC0];
	[tilespmem:s19+$0x1020 ss:$0x81] =	vst.msk $0xffff, v6;
	s20 =	sadd.s32 $0x80, s20  }
0x43: {  	s22 =	sadd.s32 $0x4, s22;
	v4 =	vld [tilespmem:s20+$0x30];
	[tilespmem:s19+$0x1830 ss:$0x81] =	vst.msk $0xffff, v7  }
.Ltmp4:
0x44: {  	_ = 	snop;
	(pc) =	sbr.rel .LBB1_4-.Ltmp4, $1  }
0x45: {  	_ =	sdelay $0x3  }
.LBB1_6:
0x46: {  	_ =	sfence.sel $0x180000  }
0x47: {  	s2 =	simm.s32 $0x1;
	[bflag:$0x0] =	sbarrier.arrive $0xFFFF  }
0x48: {  	s31 =	simm.s32 $0x2;
	[sflag:s2] =	ssyncpa.u1 $0x1  }
0x49: {  	[sflag:s31] =	ssyncpa.u1 $0x1  }
0x4a: {  	p0 =	sne.s32 s0, $0x0;
	_ =	strace $0x9000004D  }
0x4b: {  	s0 =	sadd.s32 @!p0 $0x100000, s1;
	[bflag:$0x2] =	sbarrier.arrive $0xFFFF  }
0x4c: {  	[sflag:s0] =	ssyncadd.tile.s32 @!p0 $0x1;
	_ =	shalt  }
.Lfunc_end1:
_tile_overlayer_lowered:
.L_overlay_start_2:
0x4d: {  	(tag) =	ssettag $0x2  }
0x4e: {  	s0 =	rddreg [dreg:$0x0];
	s2 =	stileid.u32  }
0x4f: {  	s1 =	rddreg [dreg:$0x1];
	p0 =	sne.s32 s2, $0x0  }
0x50: {  	s3 =	rddreg [dreg:$0x2];
	[bflag:$0x3] =	sbarrier.arrive $0xFFFF;
	s2 =	simm.s32 @!p0 $0x1C01  }
0x51: {  	[timem:s3], [sflag:s2] =	dma.local @!p0 [hbm:s0], s1  }
0x52: {  	s0 =	simm.s32 @!p0 $0x1  }
0x53: {  	_ =	swait.ge @!p0 [sflag:s0], s1  }
0x54: {  	s1 =	ssub.s32 @!p0 $0x0, s1;
	[sflag:s0] =	ssyncset.done @!p0 $0x0  }
0x55: {  	[sflag:s0] =	ssyncadd.s32 @!p0 s1  }
0x56: {  	[bflag:$0x3] =	sbarrier.arrive $0xFFFF  }
0x57: {  	_ =	shalt  }

</sc_bundles>
